<compile_context>
chip_gen: v7x
topology: tpu7x:2x2x1
jax: 0.10.2.dev20260603
libtpu: 0.0.44.dev20260713+nightly
codegen_flags: <defaults>
</compile_context>

<pallas_src>
import functools

import jax
import jax.numpy as jnp
from jax import lax
from jax.experimental import pallas as pl
from jax.experimental.pallas import tpu as pltpu
from jax.experimental.pallas import tpu_sc as plsc

N_NODES = 10000
D = 128
N_EDGES = 320000
BATCH = 4096

NC = 2
NS = 16
NW = NC * NS

EDGES_PER_TILE = N_EDGES // NW
CHUNK = 80
N_CHUNKS = EDGES_PER_TILE // CHUNK
ROWS_PER_TILE = N_NODES // NS
ZCHUNK = 125
DZ = 624
BCHUNK = 128
B_PER_TILE = BATCH // NS


def _sc_aggregate(features, src, dst, nodes):
    mesh = plsc.VectorSubcoreMesh(core_axis_name="c", subcore_axis_name="s")

    @functools.partial(
        pl.kernel,
        mesh=mesh,
        out_type=[
            jax.ShapeDtypeStruct((NC, BATCH, D), jnp.float32),
            jax.ShapeDtypeStruct((NC * BATCH,), jnp.float32),
            jax.ShapeDtypeStruct((BATCH, D), jnp.float32),
        ],
        scratch_types=[
            pltpu.VMEM_SHARED((N_NODES, D), jnp.float32),
            pltpu.VMEM_SHARED((N_NODES,), jnp.float32),
            pltpu.VMEM((CHUNK,), jnp.int32),
            pltpu.VMEM((CHUNK,), jnp.int32),
            pltpu.VMEM((CHUNK, D), jnp.float32),
            pltpu.VMEM((CHUNK,), jnp.float32),
            pltpu.VMEM((ZCHUNK, D), jnp.float32),
            pltpu.VMEM((DZ,), jnp.float32),
            pltpu.VMEM((BCHUNK,), jnp.int32),
            pltpu.VMEM((BCHUNK, D), jnp.float32),
            pltpu.VMEM((BCHUNK,), jnp.float32),
            pltpu.SemaphoreType.DMA,
        ],
    )
    def agg(feat_hbm, src_hbm, dst_hbm, nodes_hbm, part_hbm, pdeg_hbm,
            self_hbm, acc_sh, deg_sh, src_v, dst_v, rows_v, ones_v, zero_v,
            zvec_v, bidx_v, brow_v, bdeg_v, sem):
        cid = lax.axis_index("c")
        sid = lax.axis_index("s")
        wid = sid * NC + cid

        zeros16 = jnp.zeros((16,), jnp.float32)
        ones16 = jnp.ones((16,), jnp.float32)

        def init_zero(i, _):
            r = i // (D // 16)
            c = i % (D // 16)
            zero_v[r, pl.ds(c * 16, 16)] = zeros16
            return 0
        lax.fori_loop(0, ZCHUNK * (D // 16), init_zero, 0)

        def init_zvec(i, _):
            zvec_v[pl.ds(i * 16, 16)] = zeros16
            return 0
        lax.fori_loop(0, DZ // 16, init_zvec, 0)

        def init_ones(i, _):
            ones_v[pl.ds(i * 16, 16)] = ones16
            return 0
        lax.fori_loop(0, CHUNK // 16, init_ones, 0)

        def zero_acc(i, _):
            base = sid * ROWS_PER_TILE + i * ZCHUNK
            pltpu.sync_copy(zero_v, acc_sh.at[pl.ds(base, ZCHUNK)])
            return 0
        lax.fori_loop(0, ROWS_PER_TILE // ZCHUNK, zero_acc, 0)

        pltpu.sync_copy(zvec_v, deg_sh.at[pl.ds(sid * DZ, DZ)])

        @pl.when(sid == 0)
        def _():
            pltpu.sync_copy(zvec_v.at[pl.ds(0, N_NODES - NS * DZ)],
                            deg_sh.at[pl.ds(NS * DZ, N_NODES - NS * DZ)])

        plsc.subcore_barrier()

        def edge_chunk(j, _):
            base = wid * EDGES_PER_TILE + j * CHUNK
            pltpu.sync_copy(src_hbm.at[pl.ds(base, CHUNK)], src_v)
            pltpu.sync_copy(dst_hbm.at[pl.ds(base, CHUNK)], dst_v)
            pltpu.async_copy(feat_hbm.at[dst_v], rows_v, sem).wait()
            pltpu.sync_copy(rows_v, acc_sh.at[src_v], add=True)
            pltpu.sync_copy(ones_v, deg_sh.at[src_v], add=True)
            return 0
        lax.fori_loop(0, N_CHUNKS, edge_chunk, 0)

        plsc.subcore_barrier()

        def batch_chunk(t, _):
            nbase = sid * B_PER_TILE + t * BCHUNK
            pltpu.sync_copy(nodes_hbm.at[pl.ds(nbase, BCHUNK)], bidx_v)
            pltpu.async_copy(acc_sh.at[bidx_v], brow_v, sem).wait()
            pltpu.sync_copy(brow_v, part_hbm.at[cid, pl.ds(nbase, BCHUNK)])
            pltpu.async_copy(deg_sh.at[bidx_v], bdeg_v, sem).wait()
            pltpu.sync_copy(bdeg_v,
                            pdeg_hbm.at[pl.ds(cid * BATCH + nbase, BCHUNK)])
            return 0
        lax.fori_loop(0, B_PER_TILE // BCHUNK, batch_chunk, 0)

        sbase = wid * (BATCH // NW)
        pltpu.sync_copy(nodes_hbm.at[pl.ds(sbase, BCHUNK)], bidx_v)
        pltpu.async_copy(feat_hbm.at[bidx_v], brow_v, sem).wait()
        pltpu.sync_copy(brow_v, self_hbm.at[pl.ds(sbase, BCHUNK)])

    return agg(features, src, dst, nodes)


def _tc_finish_body(self_ref, part_ref, d0_ref, d1_ref, w1_ref, w2_ref,
                    b_ref, out_ref):
    psum = part_ref[0] + part_ref[1]
    deg = jnp.maximum(d0_ref[...] + d1_ref[...], 1.0)
    mean = psum / deg
    acc = jnp.dot(self_ref[...], w1_ref[...],
                  preferred_element_type=jnp.float32)
    acc += jnp.dot(mean, w2_ref[...], preferred_element_type=jnp.float32)
    out_ref[...] = jnp.maximum(acc + b_ref[...], 0.0)


def _tc_finish(self_feats, partial, d0, d1, W1, W2, b2d):
    blk = 512
    grid = (BATCH // blk,)
    return pl.pallas_call(
        _tc_finish_body,
        grid=grid,
        in_specs=[
            pl.BlockSpec((blk, D), lambda i: (i, 0)),
            pl.BlockSpec((NC, blk, D), lambda i: (0, i, 0)),
            pl.BlockSpec((blk, 1), lambda i: (i, 0)),
            pl.BlockSpec((blk, 1), lambda i: (i, 0)),
            pl.BlockSpec((D, D), lambda i: (0, 0)),
            pl.BlockSpec((D, D), lambda i: (0, 0)),
            pl.BlockSpec((1, D), lambda i: (0, 0)),
        ],
        out_specs=pl.BlockSpec((blk, D), lambda i: (i, 0)),
        out_shape=jax.ShapeDtypeStruct((BATCH, D), jnp.float32),
    )(self_feats, partial, d0, d1, W1, W2, b2d)


def kernel(nodes, features, edge_index, W, b):
    src = edge_index[0]
    dst = edge_index[1]
    partial, pdeg, self_feats = _sc_aggregate(features, src, dst, nodes)
    d0 = pdeg[:BATCH].reshape(BATCH, 1)
    d1 = pdeg[BATCH:].reshape(BATCH, 1)
    W1 = W[:D]
    W2 = W[D:]
    b2d = b.reshape(1, D)
    return _tc_finish(self_feats, partial, d0, d1, W1, W2, b2d)

# --- scband reference (transcript-rebuilt; emitter-appended) ---
"""Pipeline reference for scband-encoder-42502996361302 (READ-ONLY COPY).

The authoritative reference and input builder live on the scoring server;
editing this copy changes nothing except your own understanding.
"""

import jax, jax.numpy as jnp
import numpy as np

N_NODES = 10000
D_FEAT = 128
EMBED_DIM = 128
N_EDGES = 320000
BATCH = 4096


def setup_inputs(seed: int = 0) -> dict:
    key = jax.random.key(seed)
    k1, k2, k3, k4, k5 = jax.random.split(key, 5)
    nodes = jax.random.randint(k1, (BATCH,), 0, N_NODES, dtype=jnp.int32)
    features = jax.random.normal(k2, (N_NODES, D_FEAT), dtype=jnp.float32)
    edge_index = jax.random.randint(k3, (2, N_EDGES), 0, N_NODES, dtype=jnp.int32)
    # Learned parameters: Linear(input_dim + embed_dim -> embed_dim) since gcn=False
    W = jax.random.normal(k4, (D_FEAT + EMBED_DIM, EMBED_DIM), dtype=jnp.float32) * 0.05
    b = jax.random.normal(k5, (EMBED_DIM,), dtype=jnp.float32) * 0.05
    return {"nodes": nodes, "features": features, "edge_index": edge_index, "W": W, "b": b}


def reference(nodes, features, edge_index, W, b):
    # Mean aggregator over neighbors: for each node u, mean of features[v] over edges (u -> v).
    src = edge_index[0]
    dst = edge_index[1]
    msgs = jnp.take(features, dst, axis=0)  # gather neighbor features per edge
    neigh_sum = jax.ops.segment_sum(msgs, src, num_segments=features.shape[0])
    deg = jax.ops.segment_sum(jnp.ones_like(src, dtype=features.dtype), src, num_segments=features.shape[0])
    neigh_mean = neigh_sum / jnp.maximum(deg, 1.0)[:, None]
    neigh_feats = jnp.take(neigh_mean, nodes, axis=0)
    self_feats = jnp.take(features, nodes, axis=0)
    combined = jnp.concatenate([self_feats, neigh_feats], axis=1)
    out = jax.nn.relu(combined @ W + b)
    return out

if __name__ == "__main__":
    import jax
    _d = setup_inputs()
    print(jax.jit(kernel)(*tuple(_d.values())))

</pallas_src>

<mosaic_0001>
#map = affine_map<(d0, d1) -> (0, 0)>
#map1 = affine_map<(d0, d1) -> (0)>
#map2 = affine_map<(d0, d1) -> (0, 0, 0)>
module attributes {stable_mosaic.version = 14 : i64} {
  func.func @agg(%arg0: i32, %arg1: i32, %arg2: memref<10000x128xf32, #tpu.memory_space<hbm>>, %arg3: memref<320000xi32, #tpu.memory_space<hbm>>, %arg4: memref<320000xi32, #tpu.memory_space<hbm>>, %arg5: memref<4096xi32, #tpu.memory_space<hbm>>, %arg6: memref<2x4096x128xf32, #tpu.memory_space<hbm>>, %arg7: memref<8192xf32, #tpu.memory_space<hbm>>, %arg8: memref<4096x128xf32, #tpu.memory_space<hbm>>, %arg9: memref<10000x128xf32, #tpu.memory_space<vmem_shared>>, %arg10: memref<10000xf32, #tpu.memory_space<vmem_shared>>, %arg11: memref<80xi32, #tpu.memory_space<vmem>>, %arg12: memref<80xi32, #tpu.memory_space<vmem>>, %arg13: memref<80x128xf32, #tpu.memory_space<vmem>>, %arg14: memref<80xf32, #tpu.memory_space<vmem>>, %arg15: memref<125x128xf32, #tpu.memory_space<vmem>>, %arg16: memref<624xf32, #tpu.memory_space<vmem>>, %arg17: memref<128xi32, #tpu.memory_space<vmem>>, %arg18: memref<128x128xf32, #tpu.memory_space<vmem>>, %arg19: memref<128xf32, #tpu.memory_space<vmem>>, %arg20: memref<!tpu.dma_semaphore, #tpu.memory_space<semaphore_mem>>) attributes {dimension_semantics = [#tpu.dimension_semantics<core_parallel>, #tpu.dimension_semantics<subcore_parallel>], iteration_bounds = array<i64: 2, 16>, scalar_prefetch = 0 : i64, scratch_operands = 12 : i64, tpu.core_type = #tpu.core_type<sc_vector_subcore>, window_params = [{transform_indices = #map}, {transform_indices = #map1}, {transform_indices = #map1}, {transform_indices = #map1}, {transform_indices = #map2}, {transform_indices = #map1}, {transform_indices = #map}]} {
    %mul3A = arith.constant 2 : i32
    %mul3A_0 = arith.muli %arg1, %mul3A : i32
    %add3A = arith.addi %mul3A_0, %arg0 : i32
    %broadcast_in_dim3A = arith.constant 0.000000e+00 : f32
    %broadcast_in_dim3A_1 = vector.broadcast %broadcast_in_dim3A : f32 to vector<16xf32>
    %broadcast_in_dim3A_2 = arith.constant 1.000000e+00 : f32
    %broadcast_in_dim3A_3 = vector.broadcast %broadcast_in_dim3A_2 : f32 to vector<16xf32>
    %scan3A = arith.constant 0 : i32
    %scan3A_4 = arith.constant 0 : i32
    %scan3A_5 = arith.constant 1000 : i32
    %scan3A_6 = arith.addi %scan3A_4, %scan3A_5 : i32
    %scan3A_7 = arith.constant 1 : i32
    %scan3A_8 = scf.for %scan3A_56 = %scan3A_4 to %scan3A_6 step %scan3A_7 iter_args(%scan3A_57 = %scan3A) -> (i32)  : i32 {
      %jit3A = arith.constant 8 : i32
      %div3A = arith.divsi %scan3A_56, %jit3A : i32
      %sign3A = arith.constant 0 : i32
      %sign3A_58 = arith.cmpi sgt, %scan3A_56, %sign3A : i32
      %sign3A_59 = arith.extui %sign3A_58 : i1 to i32
      %sign3A_60 = arith.constant 0 : i32
      %sign3A_61 = arith.cmpi slt, %scan3A_56, %sign3A_60 : i32
      %sign3A_62 = arith.extui %sign3A_61 : i1 to i32
      %sign3A_63 = arith.subi %sign3A_59, %sign3A_62 : i32
      %sign3A_64 = arith.constant 0 : i32
      %sign3A_65 = arith.cmpi sgt, %jit3A, %sign3A_64 : i32
      %sign3A_66 = arith.extui %sign3A_65 : i1 to i32
      %sign3A_67 = arith.constant 0 : i32
      %sign3A_68 = arith.cmpi slt, %jit3A, %sign3A_67 : i32
      %sign3A_69 = arith.extui %sign3A_68 : i1 to i32
      %sign3A_70 = arith.subi %sign3A_66, %sign3A_69 : i32
      %ne3A = arith.cmpi ne, %sign3A_63, %sign3A_70 : i32
      %rem3A = arith.remsi %scan3A_56, %jit3A : i32
      %ne3A_71 = arith.constant 0 : i32
      %ne3A_72 = arith.cmpi ne, %rem3A, %ne3A_71 : i32
      %and3A = arith.andi %ne3A, %ne3A_72 : i1
      %sub3A = arith.constant 1 : i32
      %sub3A_73 = arith.subi %div3A, %sub3A : i32
      %select_n3A = arith.select %and3A, %sub3A_73, %div3A : i32
      %jit3A_74 = arith.constant 8 : i32
      %eq3A_75 = arith.constant 0 : i32
      %eq3A_76 = arith.cmpi eq, %jit3A_74, %eq3A_75 : i32
      %jit3A_77 = arith.constant 1 : i32
      %select_n3A_78 = arith.select %eq3A_76, %jit3A_77, %jit3A_74 : i32
      %rem3A_79 = arith.remsi %scan3A_56, %select_n3A_78 : i32
      %ne3A_80 = arith.constant 0 : i32
      %ne3A_81 = arith.cmpi ne, %rem3A_79, %ne3A_80 : i32
      %lt3A = arith.constant 0 : i32
      %lt3A_82 = arith.cmpi slt, %rem3A_79, %lt3A : i32
      %lt3A_83 = arith.constant 0 : i32
      %lt3A_84 = arith.cmpi slt, %select_n3A_78, %lt3A_83 : i32
      %ne3A_85 = arith.xori %lt3A_82, %lt3A_84 : i1
      %and3A_86 = arith.andi %ne3A_85, %ne3A_81 : i1
      %add3A_87 = arith.addi %rem3A_79, %select_n3A_78 : i32
      %select_n3A_88 = arith.select %and3A_86, %add3A_87, %rem3A_79 : i32
      %mul3A_89 = arith.constant 16 : i32
      %mul3A_90 = arith.muli %select_n3A_88, %mul3A_89 : i32
      %swap3A = arith.index_cast %select_n3A : i32 to index
      %swap3A_91 = arith.index_cast %mul3A_90 : i32 to index
      %swap3A_92 = tpu.vector_load %arg15[%swap3A, %swap3A_91] {strides = array<i32>} : memref<125x128xf32, #tpu.memory_space<vmem>>, vector<1x16xf32>,
      %swap3A_93 = vector.shape_cast %swap3A_92 : vector<1x16xf32> to vector<16xf32>
      %swap3A_94 = vector.shape_cast %broadcast_in_dim3A_1 : vector<16xf32> to vector<1x16xf32>
      tpu.vector_store %arg15[%swap3A, %swap3A_91], %swap3A_94 {strides = array<i32>} : memref<125x128xf32, #tpu.memory_space<vmem>>, vector<1x16xf32>,
      %scan3A_95 = arith.constant 0 : i32
      scf.yield %scan3A_95 : i32
    }
    %scan3A_9 = arith.constant 1000 : i32
    %scan3A_10 = arith.constant 0 : i32
    %scan3A_11 = arith.constant 0 : i32
    %scan3A_12 = arith.constant 39 : i32
    %scan3A_13 = arith.addi %scan3A_11, %scan3A_12 : i32
    %scan3A_14 = arith.constant 1 : i32
    %scan3A_15 = scf.for %scan3A_56 = %scan3A_11 to %scan3A_13 step %scan3A_14 iter_args(%scan3A_57 = %scan3A_10) -> (i32)  : i32 {
      %mul3A_58 = arith.constant 16 : i32
      %mul3A_59 = arith.muli %scan3A_56, %mul3A_58 : i32
      %swap3A = arith.index_cast %mul3A_59 : i32 to index
      %swap3A_60 = tpu.vector_load %arg16[%swap3A] {strides = array<i32>} : memref<624xf32, #tpu.memory_space<vmem>>, vector<16xf32>,
      %swap3A_61 = vector.shape_cast %swap3A_60 : vector<16xf32> to vector<16xf32>
      %swap3A_62 = vector.shape_cast %broadcast_in_dim3A_1 : vector<16xf32> to vector<16xf32>
      tpu.vector_store %arg16[%swap3A], %swap3A_62 {strides = array<i32>} : memref<624xf32, #tpu.memory_space<vmem>>, vector<16xf32>,
      %scan3A_63 = arith.constant 0 : i32
      scf.yield %scan3A_63 : i32
    }
    %scan3A_16 = arith.constant 39 : i32
    %scan3A_17 = arith.constant 0 : i32
    %scan3A_18 = arith.constant 0 : i32
    %scan3A_19 = arith.constant 5 : i32
    %scan3A_20 = arith.addi %scan3A_18, %scan3A_19 : i32
    %scan3A_21 = arith.constant 1 : i32
    %scan3A_22 = scf.for %scan3A_56 = %scan3A_18 to %scan3A_20 step %scan3A_21 iter_args(%scan3A_57 = %scan3A_17) -> (i32)  : i32 {
      %mul3A_58 = arith.constant 16 : i32
      %mul3A_59 = arith.muli %scan3A_56, %mul3A_58 : i32
      %swap3A = arith.index_cast %mul3A_59 : i32 to index
      %swap3A_60 = tpu.vector_load %arg14[%swap3A] {strides = array<i32>} : memref<80xf32, #tpu.memory_space<vmem>>, vector<16xf32>,
      %swap3A_61 = vector.shape_cast %swap3A_60 : vector<16xf32> to vector<16xf32>
      %swap3A_62 = vector.shape_cast %broadcast_in_dim3A_3 : vector<16xf32> to vector<16xf32>
      tpu.vector_store %arg14[%swap3A], %swap3A_62 {strides = array<i32>} : memref<80xf32, #tpu.memory_space<vmem>>, vector<16xf32>,
      %scan3A_63 = arith.constant 0 : i32
      scf.yield %scan3A_63 : i32
    }
    %scan3A_23 = arith.constant 5 : i32
    %scan3A_24 = arith.constant 0 : i32
    %scan3A_25 = arith.constant 0 : i32
    %scan3A_26 = arith.constant 5 : i32
    %scan3A_27 = arith.addi %scan3A_25, %scan3A_26 : i32
    %scan3A_28 = arith.constant 1 : i32
    %scan3A_29 = scf.for %scan3A_56 = %scan3A_25 to %scan3A_27 step %scan3A_28 iter_args(%scan3A_57 = %scan3A_24) -> (i32)  : i32 {
      %mul3A_58 = arith.constant 625 : i32
      %mul3A_59 = arith.muli %arg1, %mul3A_58 : i32
      %mul3A_60 = arith.constant 125 : i32
      %mul3A_61 = arith.muli %scan3A_56, %mul3A_60 : i32
      %add3A_62 = arith.addi %mul3A_59, %mul3A_61 : i32
      "tpu.region"() ({
        %run_scoped3A = tpu.sem_alloc : memref<!tpu.dma_semaphore, #tpu.memory_space<semaphore_mem>>
        %dma_start3A_64 = arith.constant 0 : i32
        %dma_start3A_65 = tpu.memref_slice %arg9[%add3A_62, %dma_start3A_64] : memref<10000x128xf32, #tpu.memory_space<vmem_shared>> -> memref<125x128xf32, #tpu.memory_space<vmem_shared>>
        %dma_start3A_66 = arith.constant 0 : i32
        %dma_start3A_67 = tpu.memref_slice %arg9[%add3A_62, %dma_start3A_66] : memref<10000x128xf32, #tpu.memory_space<vmem_shared>> -> memref<125x128xf32, #tpu.memory_space<vmem_shared>>
        tpu.enqueue_dma source(%arg15 : memref<125x128xf32, #tpu.memory_space<vmem>>) target(%dma_start3A_67 : memref<125x128xf32, #tpu.memory_space<vmem_shared>>) target_semaphore(%run_scoped3A : memref<!tpu.dma_semaphore, #tpu.memory_space<semaphore_mem>>)
        %dma_wait3A_68 = arith.constant 0 : i32
        %dma_wait3A_69 = tpu.memref_slice %arg9[%add3A_62, %dma_wait3A_68] : memref<10000x128xf32, #tpu.memory_space<vmem_shared>> -> memref<125x128xf32, #tpu.memory_space<vmem_shared>>
        %dma_wait3A_70 = arith.constant 0 : i32
        %dma_wait3A_71 = tpu.memref_slice %arg9[%add3A_62, %dma_wait3A_70] : memref<10000x128xf32, #tpu.memory_space<vmem_shared>> -> memref<125x128xf32, #tpu.memory_space<vmem_shared>>
        tpu.wait_dma2 semaphore(%run_scoped3A : memref<!tpu.dma_semaphore, #tpu.memory_space<semaphore_mem>>) src(%arg15 : memref<125x128xf32, #tpu.memory_space<vmem>>) dst(%dma_wait3A_71 : memref<125x128xf32, #tpu.memory_space<vmem_shared>>)
        tpu.yield
      }) : () -> ()
      %scan3A_63 = arith.constant 0 : i32
      scf.yield %scan3A_63 : i32
    }
    %scan3A_30 = arith.constant 5 : i32
    %mul3A_31 = arith.constant 624 : i32
    %mul3A_32 = arith.muli %arg1, %mul3A_31 : i32
    "tpu.region"() ({
      %run_scoped3A = tpu.sem_alloc : memref<!tpu.dma_semaphore, #tpu.memory_space<semaphore_mem>>
      %dma_start3A_56 = tpu.memref_slice %arg10[%mul3A_32] : memref<10000xf32, #tpu.memory_space<vmem_shared>> -> memref<624xf32, #tpu.memory_space<vmem_shared>>
      %dma_start3A_57 = tpu.memref_slice %arg10[%mul3A_32] : memref<10000xf32, #tpu.memory_space<vmem_shared>> -> memref<624xf32, #tpu.memory_space<vmem_shared>>
      tpu.enqueue_dma source(%arg16 : memref<624xf32, #tpu.memory_space<vmem>>) target(%dma_start3A_57 : memref<624xf32, #tpu.memory_space<vmem_shared>>) target_semaphore(%run_scoped3A : memref<!tpu.dma_semaphore, #tpu.memory_space<semaphore_mem>>)
      %dma_wait3A_58 = tpu.memref_slice %arg10[%mul3A_32] : memref<10000xf32, #tpu.memory_space<vmem_shared>> -> memref<624xf32, #tpu.memory_space<vmem_shared>>
      %dma_wait3A_59 = tpu.memref_slice %arg10[%mul3A_32] : memref<10000xf32, #tpu.memory_space<vmem_shared>> -> memref<624xf32, #tpu.memory_space<vmem_shared>>
      tpu.wait_dma2 semaphore(%run_scoped3A : memref<!tpu.dma_semaphore, #tpu.memory_space<semaphore_mem>>) src(%arg16 : memref<624xf32, #tpu.memory_space<vmem>>) dst(%dma_wait3A_59 : memref<624xf32, #tpu.memory_space<vmem_shared>>)
      tpu.yield
    }) : () -> ()
    %eq3A = arith.constant 0 : i32
    %eq3A_33 = arith.cmpi eq, %arg1, %eq3A : i32
    %convert_element_type3A = arith.extui %eq3A_33 : i1 to i32
    %cond3A = arith.constant 0 : i32
    %cond3A_34 = arith.cmpi ne, %convert_element_type3A, %cond3A : i32
    scf.if %cond3A_34 {
      "tpu.region"() ({
        %run_scoped3A = tpu.sem_alloc : memref<!tpu.dma_semaphore, #tpu.memory_space<semaphore_mem>>
        %dma_start3A_56 = arith.constant 0 : i32
        %dma_start3A_57 = tpu.memref_slice %arg16[%dma_start3A_56] : memref<624xf32, #tpu.memory_space<vmem>> -> memref<16xf32, #tpu.memory_space<vmem>>
        %dma_start3A_58 = arith.constant 9984 : i32
        %dma_start3A_59 = tpu.memref_slice %arg10[%dma_start3A_58] : memref<10000xf32, #tpu.memory_space<vmem_shared>> -> memref<16xf32, #tpu.memory_space<vmem_shared>>
        %dma_start3A_60 = arith.constant 9984 : i32
        %dma_start3A_61 = tpu.memref_slice %arg10[%dma_start3A_60] : memref<10000xf32, #tpu.memory_space<vmem_shared>> -> memref<16xf32, #tpu.memory_space<vmem_shared>>
        %dma_start3A_62 = arith.constant 0 : i32
        %dma_start3A_63 = tpu.memref_slice %arg16[%dma_start3A_62] : memref<624xf32, #tpu.memory_space<vmem>> -> memref<16xf32, #tpu.memory_space<vmem>>
        tpu.enqueue_dma source(%dma_start3A_63 : memref<16xf32, #tpu.memory_space<vmem>>) target(%dma_start3A_61 : memref<16xf32, #tpu.memory_space<vmem_shared>>) target_semaphore(%run_scoped3A : memref<!tpu.dma_semaphore, #tpu.memory_space<semaphore_mem>>)
        %dma_wait3A_64 = arith.constant 0 : i32
        %dma_wait3A_65 = tpu.memref_slice %arg16[%dma_wait3A_64] : memref<624xf32, #tpu.memory_space<vmem>> -> memref<16xf32, #tpu.memory_space<vmem>>
        %dma_wait3A_66 = arith.constant 9984 : i32
        %dma_wait3A_67 = tpu.memref_slice %arg10[%dma_wait3A_66] : memref<10000xf32, #tpu.memory_space<vmem_shared>> -> memref<16xf32, #tpu.memory_space<vmem_shared>>
        %dma_wait3A_68 = arith.constant 9984 : i32
        %dma_wait3A_69 = tpu.memref_slice %arg10[%dma_wait3A_68] : memref<10000xf32, #tpu.memory_space<vmem_shared>> -> memref<16xf32, #tpu.memory_space<vmem_shared>>
        %dma_wait3A_70 = arith.constant 0 : i32
        %dma_wait3A_71 = tpu.memref_slice %arg16[%dma_wait3A_70] : memref<624xf32, #tpu.memory_space<vmem>> -> memref<16xf32, #tpu.memory_space<vmem>>
        tpu.wait_dma2 semaphore(%run_scoped3A : memref<!tpu.dma_semaphore, #tpu.memory_space<semaphore_mem>>) src(%dma_wait3A_71 : memref<16xf32, #tpu.memory_space<vmem>>) dst(%dma_wait3A_69 : memref<16xf32, #tpu.memory_space<vmem_shared>>)
        tpu.yield
      }) : () -> ()
    } else {
    }
    %barrier3A = arith.constant 0 : index
    tpu.barrier barrier_id(%barrier3A)
    %scan3A_35 = arith.constant 0 : i32
    %scan3A_36 = arith.constant 0 : i32
    %scan3A_37 = arith.constant 125 : i32
    %scan3A_38 = arith.addi %scan3A_36, %scan3A_37 : i32
    %scan3A_39 = arith.constant 1 : i32
    %scan3A_40 = scf.for %scan3A_56 = %scan3A_36 to %scan3A_38 step %scan3A_39 iter_args(%scan3A_57 = %scan3A_35) -> (i32)  : i32 {
      %mul3A_58 = arith.constant 10000 : i32
      %mul3A_59 = arith.muli %add3A, %mul3A_58 : i32
      %mul3A_60 = arith.constant 80 : i32
      %mul3A_61 = arith.muli %scan3A_56, %mul3A_60 : i32
      %add3A_62 = arith.addi %mul3A_59, %mul3A_61 : i32
      "tpu.region"() ({
        %run_scoped3A = tpu.sem_alloc : memref<!tpu.dma_semaphore, #tpu.memory_space<semaphore_mem>>
        %dma_start3A_70 = tpu.memref_slice %arg3[%add3A_62] : memref<320000xi32, #tpu.memory_space<hbm>> -> memref<80xi32, #tpu.memory_space<hbm>>
        %dma_start3A_71 = tpu.memref_slice %arg3[%add3A_62] : memref<320000xi32, #tpu.memory_space<hbm>> -> memref<80xi32, #tpu.memory_space<hbm>>
        tpu.enqueue_dma source(%dma_start3A_71 : memref<80xi32, #tpu.memory_space<hbm>>) target(%arg11 : memref<80xi32, #tpu.memory_space<vmem>>) target_semaphore(%run_scoped3A : memref<!tpu.dma_semaphore, #tpu.memory_space<semaphore_mem>>)
        %dma_wait3A_72 = tpu.memref_slice %arg3[%add3A_62] : memref<320000xi32, #tpu.memory_space<hbm>> -> memref<80xi32, #tpu.memory_space<hbm>>
        %dma_wait3A_73 = tpu.memref_slice %arg3[%add3A_62] : memref<320000xi32, #tpu.memory_space<hbm>> -> memref<80xi32, #tpu.memory_space<hbm>>
        tpu.wait_dma2 semaphore(%run_scoped3A : memref<!tpu.dma_semaphore, #tpu.memory_space<semaphore_mem>>) src(%dma_wait3A_73 : memref<80xi32, #tpu.memory_space<hbm>>) dst(%arg11 : memref<80xi32, #tpu.memory_space<vmem>>)
        tpu.yield
      }) : () -> ()
      "tpu.region"() ({
        %run_scoped3A = tpu.sem_alloc : memref<!tpu.dma_semaphore, #tpu.memory_space<semaphore_mem>>
        %dma_start3A_70 = tpu.memref_slice %arg4[%add3A_62] : memref<320000xi32, #tpu.memory_space<hbm>> -> memref<80xi32, #tpu.memory_space<hbm>>
        %dma_start3A_71 = tpu.memref_slice %arg4[%add3A_62] : memref<320000xi32, #tpu.memory_space<hbm>> -> memref<80xi32, #tpu.memory_space<hbm>>
        tpu.enqueue_dma source(%dma_start3A_71 : memref<80xi32, #tpu.memory_space<hbm>>) target(%arg12 : memref<80xi32, #tpu.memory_space<vmem>>) target_semaphore(%run_scoped3A : memref<!tpu.dma_semaphore, #tpu.memory_space<semaphore_mem>>)
        %dma_wait3A_72 = tpu.memref_slice %arg4[%add3A_62] : memref<320000xi32, #tpu.memory_space<hbm>> -> memref<80xi32, #tpu.memory_space<hbm>>
        %dma_wait3A_73 = tpu.memref_slice %arg4[%add3A_62] : memref<320000xi32, #tpu.memory_space<hbm>> -> memref<80xi32, #tpu.memory_space<hbm>>
        tpu.wait_dma2 semaphore(%run_scoped3A : memref<!tpu.dma_semaphore, #tpu.memory_space<semaphore_mem>>) src(%dma_wait3A_73 : memref<80xi32, #tpu.memory_space<hbm>>) dst(%arg12 : memref<80xi32, #tpu.memory_space<vmem>>)
        tpu.yield
      }) : () -> ()
      %dma_start3A_63 = arith.constant 0 : i32
      %dma_start3A_64 = arith.constant 0 : i32
      %dma_start3A_65 = tpu.memref_slice %arg2[%dma_start3A_63, %dma_start3A_64] : memref<10000x128xf32, #tpu.memory_space<hbm>> -> memref<10000x128xf32, #tpu.memory_space<hbm>>
      tpu.enqueue_indirect_dma source(%dma_start3A_65 : memref<10000x128xf32, #tpu.memory_space<hbm>>) target(%arg13 : memref<80x128xf32, #tpu.memory_space<vmem>>) offsets(%arg12 : memref<80xi32, #tpu.memory_space<vmem>>) semaphore(%arg20 : memref<!tpu.dma_semaphore, #tpu.memory_space<semaphore_mem>>)
      %dma_wait3A_66 = arith.constant 0 : i32
      %dma_wait3A_67 = arith.constant 0 : i32
      %dma_wait3A_68 = tpu.memref_slice %arg2[%dma_wait3A_66, %dma_wait3A_67] : memref<10000x128xf32, #tpu.memory_space<hbm>> -> memref<10000x128xf32, #tpu.memory_space<hbm>>
      tpu.wait_indirect_dma semaphore(%arg20 : memref<!tpu.dma_semaphore, #tpu.memory_space<semaphore_mem>>) src(%dma_wait3A_68 : memref<10000x128xf32, #tpu.memory_space<hbm>>) dst(%arg13 : memref<80x128xf32, #tpu.memory_space<vmem>>)
      "tpu.region"() ({
        %run_scoped3A = tpu.sem_alloc : memref<!tpu.dma_semaphore, #tpu.memory_space<semaphore_mem>>
        %dma_start3A_70 = arith.constant 0 : i32
        %dma_start3A_71 = arith.constant 0 : i32
        %dma_start3A_72 = tpu.memref_slice %arg9[%dma_start3A_70, %dma_start3A_71] : memref<10000x128xf32, #tpu.memory_space<vmem_shared>> -> memref<10000x128xf32, #tpu.memory_space<vmem_shared>>
        tpu.enqueue_indirect_dma source(%arg13 : memref<80x128xf32, #tpu.memory_space<vmem>>) target(%dma_start3A_72 : memref<10000x128xf32, #tpu.memory_space<vmem_shared>>) offsets(%arg11 : memref<80xi32, #tpu.memory_space<vmem>>) semaphore(%run_scoped3A : memref<!tpu.dma_semaphore, #tpu.memory_space<semaphore_mem>>) {add = true}
        %dma_wait3A_73 = arith.constant 0 : i32
        %dma_wait3A_74 = arith.constant 0 : i32
        %dma_wait3A_75 = tpu.memref_slice %arg9[%dma_wait3A_73, %dma_wait3A_74] : memref<10000x128xf32, #tpu.memory_space<vmem_shared>> -> memref<10000x128xf32, #tpu.memory_space<vmem_shared>>
        tpu.wait_indirect_dma semaphore(%run_scoped3A : memref<!tpu.dma_semaphore, #tpu.memory_space<semaphore_mem>>) src(%arg13 : memref<80x128xf32, #tpu.memory_space<vmem>>) dst(%dma_wait3A_75 : memref<10000x128xf32, #tpu.memory_space<vmem_shared>>)
        tpu.yield
      }) : () -> ()
      "tpu.region"() ({
        %run_scoped3A = tpu.sem_alloc : memref<!tpu.dma_semaphore, #tpu.memory_space<semaphore_mem>>
        %dma_start3A_70 = arith.constant 0 : i32
        %dma_start3A_71 = tpu.memref_slice %arg10[%dma_start3A_70] : memref<10000xf32, #tpu.memory_space<vmem_shared>> -> memref<10000xf32, #tpu.memory_space<vmem_shared>>
        tpu.enqueue_indirect_dma source(%arg14 : memref<80xf32, #tpu.memory_space<vmem>>) target(%dma_start3A_71 : memref<10000xf32, #tpu.memory_space<vmem_shared>>) offsets(%arg11 : memref<80xi32, #tpu.memory_space<vmem>>) semaphore(%run_scoped3A : memref<!tpu.dma_semaphore, #tpu.memory_space<semaphore_mem>>) {add = true}
        %dma_wait3A_72 = arith.constant 0 : i32
        %dma_wait3A_73 = tpu.memref_slice %arg10[%dma_wait3A_72] : memref<10000xf32, #tpu.memory_space<vmem_shared>> -> memref<10000xf32, #tpu.memory_space<vmem_shared>>
        tpu.wait_indirect_dma semaphore(%run_scoped3A : memref<!tpu.dma_semaphore, #tpu.memory_space<semaphore_mem>>) src(%arg14 : memref<80xf32, #tpu.memory_space<vmem>>) dst(%dma_wait3A_73 : memref<10000xf32, #tpu.memory_space<vmem_shared>>)
        tpu.yield
      }) : () -> ()
      %scan3A_69 = arith.constant 0 : i32
      scf.yield %scan3A_69 : i32
    }
    %scan3A_41 = arith.constant 125 : i32
    %barrier3A_42 = arith.constant 0 : index
    tpu.barrier barrier_id(%barrier3A_42)
    %scan3A_43 = arith.constant 0 : i32
    %scan3A_44 = arith.constant 0 : i32
    %scan3A_45 = arith.constant 2 : i32
    %scan3A_46 = arith.addi %scan3A_44, %scan3A_45 : i32
    %scan3A_47 = arith.constant 1 : i32
    %scan3A_48 = scf.for %scan3A_56 = %scan3A_44 to %scan3A_46 step %scan3A_47 iter_args(%scan3A_57 = %scan3A_43) -> (i32)  : i32 {
      %mul3A_58 = arith.constant 256 : i32
      %mul3A_59 = arith.muli %arg1, %mul3A_58 : i32
      %mul3A_60 = arith.constant 128 : i32
      %mul3A_61 = arith.muli %scan3A_56, %mul3A_60 : i32
      %add3A_62 = arith.addi %mul3A_59, %mul3A_61 : i32
      "tpu.region"() ({
        %run_scoped3A = tpu.sem_alloc : memref<!tpu.dma_semaphore, #tpu.memory_space<semaphore_mem>>
        %dma_start3A_77 = tpu.memref_slice %arg5[%add3A_62] : memref<4096xi32, #tpu.memory_space<hbm>> -> memref<128xi32, #tpu.memory_space<hbm>>
        %dma_start3A_78 = tpu.memref_slice %arg5[%add3A_62] : memref<4096xi32, #tpu.memory_space<hbm>> -> memref<128xi32, #tpu.memory_space<hbm>>
        tpu.enqueue_dma source(%dma_start3A_78 : memref<128xi32, #tpu.memory_space<hbm>>) target(%arg17 : memref<128xi32, #tpu.memory_space<vmem>>) target_semaphore(%run_scoped3A : memref<!tpu.dma_semaphore, #tpu.memory_space<semaphore_mem>>)
        %dma_wait3A_79 = tpu.memref_slice %arg5[%add3A_62] : memref<4096xi32, #tpu.memory_space<hbm>> -> memref<128xi32, #tpu.memory_space<hbm>>
        %dma_wait3A_80 = tpu.memref_slice %arg5[%add3A_62] : memref<4096xi32, #tpu.memory_space<hbm>> -> memref<128xi32, #tpu.memory_space<hbm>>
        tpu.wait_dma2 semaphore(%run_scoped3A : memref<!tpu.dma_semaphore, #tpu.memory_space<semaphore_mem>>) src(%dma_wait3A_80 : memref<128xi32, #tpu.memory_space<hbm>>) dst(%arg17 : memref<128xi32, #tpu.memory_space<vmem>>)
        tpu.yield
      }) : () -> ()
      %dma_start3A_63 = arith.constant 0 : i32
      %dma_start3A_64 = arith.constant 0 : i32
      %dma_start3A_65 = tpu.memref_slice %arg9[%dma_start3A_63, %dma_start3A_64] : memref<10000x128xf32, #tpu.memory_space<vmem_shared>> -> memref<10000x128xf32, #tpu.memory_space<vmem_shared>>
      tpu.enqueue_indirect_dma source(%dma_start3A_65 : memref<10000x128xf32, #tpu.memory_space<vmem_shared>>) target(%arg18 : memref<128x128xf32, #tpu.memory_space<vmem>>) offsets(%arg17 : memref<128xi32, #tpu.memory_space<vmem>>) semaphore(%arg20 : memref<!tpu.dma_semaphore, #tpu.memory_space<semaphore_mem>>)
      %dma_wait3A_66 = arith.constant 0 : i32
      %dma_wait3A_67 = arith.constant 0 : i32
      %dma_wait3A_68 = tpu.memref_slice %arg9[%dma_wait3A_66, %dma_wait3A_67] : memref<10000x128xf32, #tpu.memory_space<vmem_shared>> -> memref<10000x128xf32, #tpu.memory_space<vmem_shared>>
      tpu.wait_indirect_dma semaphore(%arg20 : memref<!tpu.dma_semaphore, #tpu.memory_space<semaphore_mem>>) src(%dma_wait3A_68 : memref<10000x128xf32, #tpu.memory_space<vmem_shared>>) dst(%arg18 : memref<128x128xf32, #tpu.memory_space<vmem>>)
      "tpu.region"() ({
        %run_scoped3A = tpu.sem_alloc : memref<!tpu.dma_semaphore, #tpu.memory_space<semaphore_mem>>
        %dma_start3A_77 = arith.constant 0 : i32
        %dma_start3A_78 = tpu.memref_slice %arg6[%arg0, %add3A_62, %dma_start3A_77] : memref<2x4096x128xf32, #tpu.memory_space<hbm>> -> memref<1x128x128xf32, #tpu.memory_space<hbm>>
        %dma_start3A_79 = tpu.memref_squeeze %dma_start3A_78 : memref<1x128x128xf32, #tpu.memory_space<hbm>> -> memref<128x128xf32, #tpu.memory_space<hbm>>
        %dma_start3A_80 = arith.constant 0 : i32
        %dma_start3A_81 = tpu.memref_slice %arg6[%arg0, %add3A_62, %dma_start3A_80] : memref<2x4096x128xf32, #tpu.memory_space<hbm>> -> memref<1x128x128xf32, #tpu.memory_space<hbm>>
        %dma_start3A_82 = tpu.memref_squeeze %dma_start3A_81 : memref<1x128x128xf32, #tpu.memory_space<hbm>> -> memref<128x128xf32, #tpu.memory_space<hbm>>
        tpu.enqueue_dma source(%arg18 : memref<128x128xf32, #tpu.memory_space<vmem>>) target(%dma_start3A_82 : memref<128x128xf32, #tpu.memory_space<hbm>>) target_semaphore(%run_scoped3A : memref<!tpu.dma_semaphore, #tpu.memory_space<semaphore_mem>>)
        %dma_wait3A_83 = arith.constant 0 : i32
        %dma_wait3A_84 = tpu.memref_slice %arg6[%arg0, %add3A_62, %dma_wait3A_83] : memref<2x4096x128xf32, #tpu.memory_space<hbm>> -> memref<1x128x128xf32, #tpu.memory_space<hbm>>
        %dma_wait3A_85 = tpu.memref_squeeze %dma_wait3A_84 : memref<1x128x128xf32, #tpu.memory_space<hbm>> -> memref<128x128xf32, #tpu.memory_space<hbm>>
        %dma_wait3A_86 = arith.constant 0 : i32
        %dma_wait3A_87 = tpu.memref_slice %arg6[%arg0, %add3A_62, %dma_wait3A_86] : memref<2x4096x128xf32, #tpu.memory_space<hbm>> -> memref<1x128x128xf32, #tpu.memory_space<hbm>>
        %dma_wait3A_88 = tpu.memref_squeeze %dma_wait3A_87 : memref<1x128x128xf32, #tpu.memory_space<hbm>> -> memref<128x128xf32, #tpu.memory_space<hbm>>
        tpu.wait_dma2 semaphore(%run_scoped3A : memref<!tpu.dma_semaphore, #tpu.memory_space<semaphore_mem>>) src(%arg18 : memref<128x128xf32, #tpu.memory_space<vmem>>) dst(%dma_wait3A_88 : memref<128x128xf32, #tpu.memory_space<hbm>>)
        tpu.yield
      }) : () -> ()
      %dma_start3A_69 = arith.constant 0 : i32
      %dma_start3A_70 = tpu.memref_slice %arg10[%dma_start3A_69] : memref<10000xf32, #tpu.memory_space<vmem_shared>> -> memref<10000xf32, #tpu.memory_space<vmem_shared>>
      tpu.enqueue_indirect_dma source(%dma_start3A_70 : memref<10000xf32, #tpu.memory_space<vmem_shared>>) target(%arg19 : memref<128xf32, #tpu.memory_space<vmem>>) offsets(%arg17 : memref<128xi32, #tpu.memory_space<vmem>>) semaphore(%arg20 : memref<!tpu.dma_semaphore, #tpu.memory_space<semaphore_mem>>)
      %dma_wait3A_71 = arith.constant 0 : i32
      %dma_wait3A_72 = tpu.memref_slice %arg10[%dma_wait3A_71] : memref<10000xf32, #tpu.memory_space<vmem_shared>> -> memref<10000xf32, #tpu.memory_space<vmem_shared>>
      tpu.wait_indirect_dma semaphore(%arg20 : memref<!tpu.dma_semaphore, #tpu.memory_space<semaphore_mem>>) src(%dma_wait3A_72 : memref<10000xf32, #tpu.memory_space<vmem_shared>>) dst(%arg19 : memref<128xf32, #tpu.memory_space<vmem>>)
      %mul3A_73 = arith.constant 4096 : i32
      %mul3A_74 = arith.muli %arg0, %mul3A_73 : i32
      %add3A_75 = arith.addi %mul3A_74, %add3A_62 : i32
      "tpu.region"() ({
        %run_scoped3A = tpu.sem_alloc : memref<!tpu.dma_semaphore, #tpu.memory_space<semaphore_mem>>
        %dma_start3A_77 = tpu.memref_slice %arg7[%add3A_75] : memref<8192xf32, #tpu.memory_space<hbm>> -> memref<128xf32, #tpu.memory_space<hbm>>
        %dma_start3A_78 = tpu.memref_slice %arg7[%add3A_75] : memref<8192xf32, #tpu.memory_space<hbm>> -> memref<128xf32, #tpu.memory_space<hbm>>
        tpu.enqueue_dma source(%arg19 : memref<128xf32, #tpu.memory_space<vmem>>) target(%dma_start3A_78 : memref<128xf32, #tpu.memory_space<hbm>>) target_semaphore(%run_scoped3A : memref<!tpu.dma_semaphore, #tpu.memory_space<semaphore_mem>>)
        %dma_wait3A_79 = tpu.memref_slice %arg7[%add3A_75] : memref<8192xf32, #tpu.memory_space<hbm>> -> memref<128xf32, #tpu.memory_space<hbm>>
        %dma_wait3A_80 = tpu.memref_slice %arg7[%add3A_75] : memref<8192xf32, #tpu.memory_space<hbm>> -> memref<128xf32, #tpu.memory_space<hbm>>
        tpu.wait_dma2 semaphore(%run_scoped3A : memref<!tpu.dma_semaphore, #tpu.memory_space<semaphore_mem>>) src(%arg19 : memref<128xf32, #tpu.memory_space<vmem>>) dst(%dma_wait3A_80 : memref<128xf32, #tpu.memory_space<hbm>>)
        tpu.yield
      }) : () -> ()
      %scan3A_76 = arith.constant 0 : i32
      scf.yield %scan3A_76 : i32
    }
    %scan3A_49 = arith.constant 2 : i32
    %mul3A_50 = arith.constant 128 : i32
    %mul3A_51 = arith.muli %add3A, %mul3A_50 : i32
    "tpu.region"() ({
      %run_scoped3A = tpu.sem_alloc : memref<!tpu.dma_semaphore, #tpu.memory_space<semaphore_mem>>
      %dma_start3A_56 = tpu.memref_slice %arg5[%mul3A_51] : memref<4096xi32, #tpu.memory_space<hbm>> -> memref<128xi32, #tpu.memory_space<hbm>>
      %dma_start3A_57 = tpu.memref_slice %arg5[%mul3A_51] : memref<4096xi32, #tpu.memory_space<hbm>> -> memref<128xi32, #tpu.memory_space<hbm>>
      tpu.enqueue_dma source(%dma_start3A_57 : memref<128xi32, #tpu.memory_space<hbm>>) target(%arg17 : memref<128xi32, #tpu.memory_space<vmem>>) target_semaphore(%run_scoped3A : memref<!tpu.dma_semaphore, #tpu.memory_space<semaphore_mem>>)
      %dma_wait3A_58 = tpu.memref_slice %arg5[%mul3A_51] : memref<4096xi32, #tpu.memory_space<hbm>> -> memref<128xi32, #tpu.memory_space<hbm>>
      %dma_wait3A_59 = tpu.memref_slice %arg5[%mul3A_51] : memref<4096xi32, #tpu.memory_space<hbm>> -> memref<128xi32, #tpu.memory_space<hbm>>
      tpu.wait_dma2 semaphore(%run_scoped3A : memref<!tpu.dma_semaphore, #tpu.memory_space<semaphore_mem>>) src(%dma_wait3A_59 : memref<128xi32, #tpu.memory_space<hbm>>) dst(%arg17 : memref<128xi32, #tpu.memory_space<vmem>>)
      tpu.yield
    }) : () -> ()
    %dma_start3A = arith.constant 0 : i32
    %dma_start3A_52 = arith.constant 0 : i32
    %dma_start3A_53 = tpu.memref_slice %arg2[%dma_start3A, %dma_start3A_52] : memref<10000x128xf32, #tpu.memory_space<hbm>> -> memref<10000x128xf32, #tpu.memory_space<hbm>>
    tpu.enqueue_indirect_dma source(%dma_start3A_53 : memref<10000x128xf32, #tpu.memory_space<hbm>>) target(%arg18 : memref<128x128xf32, #tpu.memory_space<vmem>>) offsets(%arg17 : memref<128xi32, #tpu.memory_space<vmem>>) semaphore(%arg20 : memref<!tpu.dma_semaphore, #tpu.memory_space<semaphore_mem>>)
    %dma_wait3A = arith.constant 0 : i32
    %dma_wait3A_54 = arith.constant 0 : i32
    %dma_wait3A_55 = tpu.memref_slice %arg2[%dma_wait3A, %dma_wait3A_54] : memref<10000x128xf32, #tpu.memory_space<hbm>> -> memref<10000x128xf32, #tpu.memory_space<hbm>>
    tpu.wait_indirect_dma semaphore(%arg20 : memref<!tpu.dma_semaphore, #tpu.memory_space<semaphore_mem>>) src(%dma_wait3A_55 : memref<10000x128xf32, #tpu.memory_space<hbm>>) dst(%arg18 : memref<128x128xf32, #tpu.memory_space<vmem>>)
    "tpu.region"() ({
      %run_scoped3A = tpu.sem_alloc : memref<!tpu.dma_semaphore, #tpu.memory_space<semaphore_mem>>
      %dma_start3A_56 = arith.constant 0 : i32
      %dma_start3A_57 = tpu.memref_slice %arg8[%mul3A_51, %dma_start3A_56] : memref<4096x128xf32, #tpu.memory_space<hbm>> -> memref<128x128xf32, #tpu.memory_space<hbm>>
      %dma_start3A_58 = arith.constant 0 : i32
      %dma_start3A_59 = tpu.memref_slice %arg8[%mul3A_51, %dma_start3A_58] : memref<4096x128xf32, #tpu.memory_space<hbm>> -> memref<128x128xf32, #tpu.memory_space<hbm>>
      tpu.enqueue_dma source(%arg18 : memref<128x128xf32, #tpu.memory_space<vmem>>) target(%dma_start3A_59 : memref<128x128xf32, #tpu.memory_space<hbm>>) target_semaphore(%run_scoped3A : memref<!tpu.dma_semaphore, #tpu.memory_space<semaphore_mem>>)
      %dma_wait3A_60 = arith.constant 0 : i32
      %dma_wait3A_61 = tpu.memref_slice %arg8[%mul3A_51, %dma_wait3A_60] : memref<4096x128xf32, #tpu.memory_space<hbm>> -> memref<128x128xf32, #tpu.memory_space<hbm>>
      %dma_wait3A_62 = arith.constant 0 : i32
      %dma_wait3A_63 = tpu.memref_slice %arg8[%mul3A_51, %dma_wait3A_62] : memref<4096x128xf32, #tpu.memory_space<hbm>> -> memref<128x128xf32, #tpu.memory_space<hbm>>
      tpu.wait_dma2 semaphore(%run_scoped3A : memref<!tpu.dma_semaphore, #tpu.memory_space<semaphore_mem>>) src(%arg18 : memref<128x128xf32, #tpu.memory_space<vmem>>) dst(%dma_wait3A_63 : memref<128x128xf32, #tpu.memory_space<hbm>>)
      tpu.yield
    }) : () -> ()
    return
  }
}

module attributes {stable_mosaic.version = 14 : i64} {
  func.func @_tc_finish_body(%arg0: i32, %arg1: memref<512x128xf32, #tpu.memory_space<vmem>>, %arg2: memref<2x512x128xf32, #tpu.memory_space<vmem>>, %arg3: memref<512x1xf32, #tpu.memory_space<vmem>>, %arg4: memref<512x1xf32, #tpu.memory_space<vmem>>, %arg5: memref<128x128xf32, #tpu.memory_space<vmem>>, %arg6: memref<128x128xf32, #tpu.memory_space<vmem>>, %arg7: memref<1x128xf32, #tpu.memory_space<vmem>>, %arg8: memref<512x128xf32, #tpu.memory_space<vmem>>) attributes {dimension_semantics = [#tpu.dimension_semantics<arbitrary>], iteration_bounds = array<i64: 8>, scalar_prefetch = 0 : i64, scratch_operands = 0 : i64, tpu.core_type = #tpu.core_type<tc>, window_params = [{transform_indices = @transform_0, window_bounds = array<i64: 512, 128>}, {transform_indices = @transform_1, window_bounds = array<i64: 2, 512, 128>}, {transform_indices = @transform_2, window_bounds = array<i64: 512, 1>}, {transform_indices = @transform_3, window_bounds = array<i64: 512, 1>}, {pipeline_mode = #tpu.pipeline_mode<synchronous>, transform_indices = @transform_4, window_bounds = array<i64: 128, 128>}, {pipeline_mode = #tpu.pipeline_mode<synchronous>, transform_indices = @transform_5, window_bounds = array<i64: 128, 128>}, {pipeline_mode = #tpu.pipeline_mode<synchronous>, transform_indices = @transform_6, window_bounds = array<i64: 1, 128>}, {transform_indices = @transform_7, window_bounds = array<i64: 512, 128>}]} {
    %get3A = arith.constant 0 : index
    %get3A_0 = arith.constant 0 : index
    %get3A_1 = arith.constant 0 : index
    %get3A_2 = vector.load %arg2[%get3A, %get3A_0, %get3A_1] : memref<2x512x128xf32, #tpu.memory_space<vmem>>, vector<1x512x128xf32>
    %get3A_3 = vector.shape_cast %get3A_2 : vector<1x512x128xf32> to vector<512x128xf32>
    %get3A_4 = arith.constant 1 : index
    %get3A_5 = arith.constant 0 : index
    %get3A_6 = arith.constant 0 : index
    %get3A_7 = vector.load %arg2[%get3A_4, %get3A_5, %get3A_6] : memref<2x512x128xf32, #tpu.memory_space<vmem>>, vector<1x512x128xf32>
    %get3A_8 = vector.shape_cast %get3A_7 : vector<1x512x128xf32> to vector<512x128xf32>
    %add3A = arith.addf %get3A_3, %get3A_8 : vector<512x128xf32>
    %get3A_9 = arith.constant 0 : index
    %get3A_10 = arith.constant 0 : index
    %get3A_11 = vector.load %arg3[%get3A_9, %get3A_10] : memref<512x1xf32, #tpu.memory_space<vmem>>, vector<512x1xf32>
    %get3A_12 = arith.constant 0 : index
    %get3A_13 = arith.constant 0 : index
    %get3A_14 = vector.load %arg4[%get3A_12, %get3A_13] : memref<512x1xf32, #tpu.memory_space<vmem>>, vector<512x1xf32>
    %add3A_15 = arith.addf %get3A_11, %get3A_14 : vector<512x1xf32>
    %max3A = arith.constant 1.000000e+00 : f32
    %max3A_16 = vector.broadcast %max3A : f32 to vector<512x1xf32>
    %max3A_17 = arith.maximumf %add3A_15, %max3A_16 : vector<512x1xf32>
    %div3A = vector.broadcast %max3A_17 : vector<512x1xf32> to vector<512x128xf32>
    %div3A_18 = arith.divf %add3A, %div3A : vector<512x128xf32>
    %get3A_19 = arith.constant 0 : index
    %get3A_20 = arith.constant 0 : index
    %get3A_21 = vector.load %arg1[%get3A_19, %get3A_20] : memref<512x128xf32, #tpu.memory_space<vmem>>, vector<512x128xf32>
    %get3A_22 = arith.constant 0 : index
    %get3A_23 = arith.constant 0 : index
    %get3A_24 = vector.load %arg5[%get3A_22, %get3A_23] : memref<128x128xf32, #tpu.memory_space<vmem>>, vector<128x128xf32>
    %dot_general3A = arith.constant dense<0.000000e+00> : vector<512x128xf32>
    %dot_general3A_25 = tpu.matmul %get3A_21, %get3A_24, %dot_general3A {dimension_numbers = #tpu.dot_dimension_numbers<[1], [0], [0], [1], [0, 0, 1, 1], [], []>, transpose_lhs_hint = false} : vector<512x128xf32>, vector<128x128xf32>, vector<512x128xf32> -> vector<512x128xf32>
    %get3A_26 = arith.constant 0 : index
    %get3A_27 = arith.constant 0 : index
    %get3A_28 = vector.load %arg6[%get3A_26, %get3A_27] : memref<128x128xf32, #tpu.memory_space<vmem>>, vector<128x128xf32>
    %dot_general3A_29 = arith.constant dense<0.000000e+00> : vector<512x128xf32>
    %dot_general3A_30 = tpu.matmul %div3A_18, %get3A_28, %dot_general3A_29 {dimension_numbers = #tpu.dot_dimension_numbers<[1], [0], [0], [1], [0, 0, 1, 1], [], []>, transpose_lhs_hint = false} : vector<512x128xf32>, vector<128x128xf32>, vector<512x128xf32> -> vector<512x128xf32>
    %add3A_31 = arith.addf %dot_general3A_25, %dot_general3A_30 : vector<512x128xf32>
    %get3A_32 = arith.constant 0 : index
    %get3A_33 = arith.constant 0 : index
    %get3A_34 = vector.load %arg7[%get3A_32, %get3A_33] : memref<1x128xf32, #tpu.memory_space<vmem>>, vector<1x128xf32>
    %add3A_35 = vector.broadcast %get3A_34 : vector<1x128xf32> to vector<512x128xf32>
    %add3A_36 = arith.addf %add3A_31, %add3A_35 : vector<512x128xf32>
    %max3A_37 = arith.constant 0.000000e+00 : f32
    %max3A_38 = vector.broadcast %max3A_37 : f32 to vector<512x128xf32>
    %max3A_39 = arith.maximumf %add3A_36, %max3A_38 : vector<512x128xf32>
    %swap3A = arith.constant 0 : index
    %swap3A_40 = arith.constant 0 : index
    %swap3A_41 = vector.load %arg8[%swap3A, %swap3A_40] : memref<512x128xf32, #tpu.memory_space<vmem>>, vector<512x128xf32>
    tpu.vector_store %arg8[%swap3A, %swap3A_40], %max3A_39 {strides = array<i32>} : memref<512x128xf32, #tpu.memory_space<vmem>>, vector<512x128xf32>,
    return
  }
  func.func @transform_0(%arg0: i32) -> (i32, i32) {
    %c0_i32 = arith.constant 0 : i32
    %c0_i32_0 = arith.constant 0 : i32
    return %arg0, %c0_i32 : i32, i32
  }
  func.func @transform_1(%arg0: i32) -> (i32, i32, i32) {
    %c0_i32 = arith.constant 0 : i32
    %c0_i32_0 = arith.constant 0 : i32
    %c0_i32_1 = arith.constant 0 : i32
    return %c0_i32, %arg0, %c0_i32_0 : i32, i32, i32
  }
  func.func @transform_2(%arg0: i32) -> (i32, i32) {
    %c0_i32 = arith.constant 0 : i32
    %c0_i32_0 = arith.constant 0 : i32
    return %arg0, %c0_i32 : i32, i32
  }
  func.func @transform_3(%arg0: i32) -> (i32, i32) {
    %c0_i32 = arith.constant 0 : i32
    %c0_i32_0 = arith.constant 0 : i32
    return %arg0, %c0_i32 : i32, i32
  }
  func.func @transform_4(%arg0: i32) -> (i32, i32) {
    %c0_i32 = arith.constant 0 : i32
    %c0_i32_0 = arith.constant 0 : i32
    %c0_i32_1 = arith.constant 0 : i32
    return %c0_i32, %c0_i32_0 : i32, i32
  }
  func.func @transform_5(%arg0: i32) -> (i32, i32) {
    %c0_i32 = arith.constant 0 : i32
    %c0_i32_0 = arith.constant 0 : i32
    %c0_i32_1 = arith.constant 0 : i32
    return %c0_i32, %c0_i32_0 : i32, i32
  }
  func.func @transform_6(%arg0: i32) -> (i32, i32) {
    %c0_i32 = arith.constant 0 : i32
    %c0_i32_0 = arith.constant 0 : i32
    %c0_i32_1 = arith.constant 0 : i32
    return %c0_i32, %c0_i32_0 : i32, i32
  }
  func.func @transform_7(%arg0: i32) -> (i32, i32) {
    %c0_i32 = arith.constant 0 : i32
    %c0_i32_0 = arith.constant 0 : i32
    return %arg0, %c0_i32 : i32, i32
  }
}

</mosaic_0001>

<sc_bundles>
// kernel: kernel.4.cloned.1.call-start
scs
__scs_entry_jumppad:
0x0: {  	(pc) =	sbr.rel $0x88, $3  }
0x1: {  	(tag) =	ssettag $0x0;
	lr =	simm.s32 $0x1  }
0x2: {  	[smem:$0x3F9C] =	sst lr;
	_ =	strace $0xD0000000  }
0x3: {  	_ = 	snop  }
0x4: {  	_ = 	snop  }
0x5: {  	_ = 	snop  }
0x6: {  	_ = 	snop  }
0x7: {  	_ = 	snop  }
__scs_overlays_trampoline_lowered:
0x8: {  	[smem:$0x3FAB] =	sst s0  }
0x9: {  	[smem:$0x3FAC] =	sst s1  }
0xa: {  	[smem:$0x3FAD] =	sst s2  }
0xb: {  	[smem:$0x3FAE] =	sst s3  }
0xc: {  	[smem:$0x3FAF] =	sst s4  }
0xd: {  	[smem:$0x3FB0] =	sst s5  }
0xe: {  	[smem:$0x3FB1] =	sst s6  }
0xf: {  	[smem:$0x3FB2] =	sst s7  }
0x10: {  	[smem:$0x3FB3] =	sst s8  }
0x11: {  	[smem:$0x3FB4] =	sst s9;
	s0 =	simm.s32 @!p0 $0x0  }
0x12: {  	s1 =	sld [smem:$0x3F9A];
	s0 =	simm.s32 @p0 $0x1  }
0x13: {  	[smem:$0x3FB5] =	sst s0;
	s0 =	simm.s32 @!p1 $0x0  }
0x14: {  	s2 =	sld [smem:$0x3F99];
	s0 =	simm.s32 @p1 $0x1  }
0x15: {  	[smem:$0x3FB6] =	sst s0;
	s0 =	simm.s32 @!p2 $0x0  }
0x16: {  	s3 =	sld [smem:$0x3FDB];
	s0 =	simm.s32 @p2 $0x1  }
0x17: {  	s4 =	simm.s32 $0x1BF5;
	[smem:$0x3FB8] =	sst s0  }
0x18: {  	s0 =	sld [smem:$0x3F9B];
	_ =	swait.ge [sflag:s4], $0x0  }
0x19: {  	s7 =	sld [smem:$0x3F9C]  }
0x1a: {  	s8 =	sadd.s32 $0xFFFFE003, lr  }
0x1b: {  	s9 =	sadd.s32 $0xFFFFFEF7, lr;
	s5 =	simm.s32 $0xFFFFFFFF;
	p2 =	slt.u32 s8, $0xFFFFF086  }
0x1c: {  	p1 =	slt.u32 s9, $0xF7A;
	s5 =	simm.s32 @!p2 $0x0  }
0x1d: {  	s5 =	simm.s32 @p1 $0x1;
	p0 =	seq.s32 s7, s2  }
0x1e: {  	s7 =	smul.u32 @!p0 $0xF7A, s2;
	p2 =	seq.s32 @!p0 s5, $0x0  }
0x1f: {  	s9 =	smul.u32 $0xF7A, s1;
	s8 =	simm.s32 @!p0 $0x1BF5;
	p2 =	por !p2, p0  }
0x20: {  	[sflag:s8] =	ssyncset.s32 @!p0 $0xFFFFF086;
	s6 =	sadd.s32 @!p0 s3, s7;
	s7 =	simm.s32 @!p0 $0x108  }
0x21: {  	s3 =	sadd.s32 s3, s9;
	s6 =	sadd.s32 @!p0 $0x88, s6;
	s7 =	simm.s32 @p2 $0x1082  }
0x22: {  	[simem:s7], [sflag:s8] =	dma.local @!p0 [hbm:s6], $0xF7A  }
0x23: {  	s9 =	sor.u32 $0xD0000000, s2;
	s6 =	simm.s32 $0x108;
	_ =	swait.ge @!p0 [sflag:s8], $0x0  }
0x24: {  	s3 =	sadd.s32 $0x88, s3;
	s6 =	simm.s32 @!p1 $0x1082;
	[sflag:s4] =	ssyncset.s32 $0xFFFFF086  }
0x25: {  	[simem:s6], [sflag:s4] =	dma.local [hbm:s3], $0xF7A  }
0x26: {  	[smem:$0x3F9C] =	sst s1;
	(tag) =	ssettag s2;
	_ =	strace s9  }
0x27: {  	s1 =	sld [smem:$0x3FAC]  }
0x28: {  	s2 =	sld [smem:$0x3FAD]  }
0x29: {  	s4 =	sld [smem:$0x3FAF]  }
0x2a: {  	p0 =	seq.s32 s5, $0x0;
	s5 =	sld [smem:$0x3FB0]  }
0x2b: {  	s6 =	sld [smem:$0x3FB1]  }
0x2c: {  	s7 =	sld [smem:$0x3FB2]  }
0x2d: {  	s3 =	simm.s32 $0x108;
	s8 =	sld [smem:$0x3FB3]  }
0x2e: {  	s3 =	simm.s32 @!p0 $0x1082;
	s9 =	sld [smem:$0x3FB4]  }
0x2f: {  	lr =	sadd.s32 s0, s3;
	s0 =	sld [smem:$0x3FAB]  }
0x30: {  	s3 =	sld [smem:$0x3FAE]  }
0x31: {  	[smem:$0x3FB7] =	sst s10  }
0x32: {  	s10 =	sld [smem:$0x3FB5];
	_ =	sdelay $0x3  }
0x33: {  	p0 =	seq.s32 s10, $0x1;
	s10 =	sld [smem:$0x3FB7];
	_ =	sdelay $0x3  }
0x34: {  	[smem:$0x3FB7] =	sst s10  }
0x35: {  	s10 =	sld [smem:$0x3FB6];
	_ =	sdelay $0x3  }
0x36: {  	p1 =	seq.s32 s10, $0x1;
	s10 =	sld [smem:$0x3FB7];
	_ =	sdelay $0x3  }
0x37: {  	[smem:$0x3FB7] =	sst s10  }
0x38: {  	s10 =	sld [smem:$0x3FB8]  }
0x39: {  	_ = 	snop;
	(pc) =	sbr.ind lr, $3  }
0x3a: {  	_ = 	snop  }
0x3b: {  	_ = 	snop  }
0x3c: {  	p2 =	seq.s32 s10, $0x1;
	s10 =	sld [smem:$0x3FB7]  }
0x3d: {  	_ =	shalt  }
0x3e: {  	_ =	shalt  }
0x3f: {  	_ =	shalt  }
0x40: {  	_ =	shalt  }
0x41: {  	_ =	shalt  }
0x42: {  	_ =	shalt  }
0x43: {  	_ =	shalt  }
0x44: {  	_ =	shalt  }
0x45: {  	_ =	shalt  }
0x46: {  	_ =	shalt  }
0x47: {  	_ =	shalt  }
0x48: {  	_ =	shalt  }
0x49: {  	_ =	shalt  }
0x4a: {  	_ =	shalt  }
0x4b: {  	_ =	shalt  }
0x4c: {  	_ =	shalt  }
0x4d: {  	_ =	shalt  }
0x4e: {  	_ =	shalt  }
0x4f: {  	_ =	shalt  }
0x50: {  	_ =	shalt  }
0x51: {  	_ =	shalt  }
0x52: {  	_ =	shalt  }
0x53: {  	_ =	shalt  }
0x54: {  	_ =	shalt  }
0x55: {  	_ =	shalt  }
0x56: {  	_ =	shalt  }
0x57: {  	_ =	shalt  }
0x58: {  	_ =	shalt  }
0x59: {  	_ =	shalt  }
0x5a: {  	_ =	shalt  }
0x5b: {  	_ =	shalt  }
0x5c: {  	_ =	shalt  }
0x5d: {  	_ =	shalt  }
0x5e: {  	_ =	shalt  }
0x5f: {  	_ =	shalt  }
0x60: {  	_ =	shalt  }
0x61: {  	_ =	shalt  }
0x62: {  	_ =	shalt  }
0x63: {  	_ =	shalt  }
0x64: {  	_ =	shalt  }
0x65: {  	_ =	shalt  }
0x66: {  	_ =	shalt  }
0x67: {  	_ =	shalt  }
0x68: {  	_ =	shalt  }
0x69: {  	_ =	shalt  }
0x6a: {  	_ =	shalt  }
0x6b: {  	_ =	shalt  }
0x6c: {  	_ =	shalt  }
0x6d: {  	_ =	shalt  }
0x6e: {  	_ =	shalt  }
0x6f: {  	_ =	shalt  }
0x70: {  	_ =	shalt  }
0x71: {  	_ =	shalt  }
0x72: {  	_ =	shalt  }
0x73: {  	_ =	shalt  }
0x74: {  	_ =	shalt  }
0x75: {  	_ =	shalt  }
0x76: {  	_ =	shalt  }
0x77: {  	_ =	shalt  }
0x78: {  	_ =	shalt  }
0x79: {  	_ =	shalt  }
0x7a: {  	_ =	shalt  }
0x7b: {  	_ =	shalt  }
0x7c: {  	_ =	shalt  }
0x7d: {  	_ =	shalt  }
0x7e: {  	_ =	shalt  }
0x7f: {  	_ =	shalt  }
0x80: {  	_ =	shalt  }
0x81: {  	_ =	shalt  }
0x82: {  	_ =	shalt  }
0x83: {  	_ =	shalt  }
0x84: {  	_ =	shalt  }
0x85: {  	_ =	shalt  }
0x86: {  	_ =	shalt  }
0x87: {  	_ =	shalt  }
.Lfunc_end0:
.L_simem_size_0:
called_computation_lowered:
.L_overlay_start_0:
0x88: {  	s2 =	sld [smem:$0x3FD9]  }
0x89: {  	s3 =	sld [smem:$0x3FFE];
	_ =	sdelay $0x1  }
0x8a: {  	s1 =	srdreg.scid  }
0x8b: {  	s0 =	sand.u32 $0x1, s1  }
0x8c: {  	s17 =	sshll.u32 s0, $0xA;
	s2 =	sadd.s32 s3, s2  }
0x8d: {  	s2 =	sadd.s32 s2, s17  }
0x8e: {  	[smem:$0x3FC3] =	sst s2  }
0x8f: {  	_ = 	snop  }
0x90: {  	s2 =	sld [smem:$0x3FC9]  }
0x91: {  	s18 =	sld [smem:$0x3FC8]  }
0x92: {  	s4 =	sld [smem:$0x3FD0];
	(tm) =	ssettm $0x1  }
0x93: {  	s5 =	sld [smem:$0x3FFB];
	_ =	sdelay $0x3  }
0x94: {  	_ =	strace s5  }
0x95: {  	s5 =	sld [smem:$0x3FFC];
	_ =	sdelay $0x3  }
0x96: {  	_ =	strace s5  }
0x97: {  	s5 =	sld [smem:$0x3FFD];
	_ =	sdelay $0x3  }
0x98: {  	_ =	strace s5  }
0x99: {  	_ =	strace $0x8FFFFFFF  }
0x9a: {  	s19 =	sld [smem:$0x3FDB];
	_ =	sdelay $0x1  }
0x9b: {  	s6 =	simm.s32 $_scs_section_size  }
0x9c: {  	s7 =	simm.s32 $_size__tile_overlayer_lowered;
	s8 =	simm.s32 $_tile_overlayer_lowered  }
0x9d: {  	s22 =	simm.s32 $0x1BFF;
	s21 =	sshll.u32 s8, $0x1;
	s5 =	sadd.s32 s6, s19  }
0x9e: {  	s9 =	simm.s32 $0x0;
	s20 =	sshll.u32 s7, $0x1;
	s7 =	sadd.s32 s21, s5  }
0x9f: {  	[timem:s9], [sflag:s22] =	dma.local [hbm:s7], s20  }
0xa0: {  	_ =	swait.ge [sflag:s22], s20  }
0xa1: {  	s6 =	ssub.s32 $0x0, s20;
	[sflag:s22] =	ssyncset.done $0x0  }
0xa2: {  	[sflag:s22] =	ssyncadd.s32 s6;
	_ =	sdelay $0x1  }
0xa3: {  	s23 =	simm.s32 $0x1B8B  }
0xa4: {  	_ =	swait.ge [sflag:s23], $0x1  }
0xa5: {  	[sflag:s23] =	ssyncset.done $0x0  }
0xa6: {  	s25 =	simm.s32 $0x1B8E;
	s24 =	sld [smem:$0x3FFE];
	[sflag:s23] =	ssyncadd.s32 $0xFFFFFFFF  }
0xa7: {  	s26 =	simm.s32 $execute0_lowered;
	[smem:$0x3FD2] =	sst s25  }
0xa8: {  	s7 =	sshll.u32 s26, $0x1;
	_ =	strace $0x80000046;
	[dreg:$0x1] =	wrdreg $0xFFFFFFFF  }
0xa9: {  	s28 =	simm.s32 $_size_execute0_lowered;
	s5 =	sadd.s32 s5, s7;
	[dreg:$0x0] =	wrdreg $0x0  }
0xaa: {  	s7 =	sshll.u32 s28, $0x1;
	[dreg:$0x2] =	wrdreg s5  }
0xab: {  	[dreg:$0x3] =	wrdreg s7  }
0xac: {  	[dreg:$0x4] =	wrdreg $0xC0  }
0xad: {  	_ =	task [dreg:s9], $0x5FFFF  }
0xae: {  	[dreg:$0x1] =	wrdreg $0xFFFFFFFF  }
0xaf: {  	[dreg:$0x0] =	wrdreg $0x60  }
0xb0: {  	[dreg:$0x2] =	wrdreg s18  }
0xb1: {  	[dreg:$0x3] =	wrdreg s24  }
0xb2: {  	[dreg:$0x4] =	wrdreg s2  }
0xb3: {  	[dreg:$0x5] =	wrdreg s4  }
0xb4: {  	[dreg:$0x6] =	wrdreg $0x0  }
0xb5: {  	[dreg:$0x7] =	wrdreg $0x138800  }
0xb6: {  	[dreg:$0x8] =	wrdreg $0x9  }
0xb7: {  	_ =	task.clear_ibuf [dreg:s9], $0x9FFFF;
	_ =	strace $0x90000046  }
0xb8: {  	s29 =	simm.s32 $0x9;
	_ =	strace $0x80000048  }
0xb9: {  	_ =	swait.ge [sflag:s29], $0x1  }
0xba: {  	[sflag:s29] =	ssyncadd.s32 $0xFFFFFFFF  }
0xbb: {  	_ =	strace $0x90000048  }
0xbc: {  	_ =	sfence  }
0xbd: {  	s30 =	sld [smem:$0x0];
	_ =	sdelay $0x2  }
0xbe: {  	s31 =	sshll.u32 s1, $0xD;
	s1 =	sshrl.u32 s1, $0x2  }
0xbf: {  	s3 =	sand.u32 $0x4000, s31;
	s1 =	sadd.s32 s1, s30  }
0xc0: {  	s0 =	sor.u32 s3, s0;
	s1 =	sshll.u32 s1, $0x11  }
0xc1: {  	s0 =	sor.u32 s1, s0  }
0xc2: {  	s0 =	sadd.s32 $0x8F2B, s0  }
0xc3: {  	[sflag:s0] =	ssyncadd.remote.s32 $0x1  }
0xc4: {  	_ =	sfence.sel $0xFFFF  }
0xc5: {  	[dreg:$0x0] =	wrdreg $0xFFFFFFFF;
	(pc) =	sbr.abs _section_cstart, $3  }
0xc6: {  	[dreg:$0x1] =	wrdreg $0xFFFFFFFF  }
0xc7: {  	_ =	task.clear_ibuf [dreg:s9], $0x2FFFF;
	_ =	strace $0x9FFFFFFF  }
0xc8: {  	(tm) =	ssettm $0x7FFFFFFF  }
0xc9: {  	_ =	shalt  }
tec
execute0_lowered:
.L_overlay_start_1:
0x0: {  	(tag) =	ssettag $0x1  }
0x1: {  	s0 =	rddreg [dreg:$0x0]  }
0x2: {  	s1 =	rddreg [dreg:$0x1]  }
0x3: {  	s5 =	rddreg [dreg:$0x2]  }
0x4: {  	s6 =	rddreg [dreg:$0x3]  }
0x5: {  	s3 =	srdreg.scid;
	s7 =	stileid.u32  }
0x6: {  	s2 =	rddreg [dreg:$0x4];
	s4 =	simm.s32 $0x0;
	s28 =	simm.s32 $0x13B78  }
0x7: {  	s29 =	simm.s32 $0x50;
	s30 =	simm.s32 $0x13BF8;
	s31 =	simm.s32 $0x1  }
0x8: {  	s8 =	sand.u32 $0x1, s3;
	s9 =	smul.u32 $0x4E20, s7;
	s3 =	rddreg [dreg:$0x5]  }
0x9: {  	[smem:$0x7FF] =	sst s4;
	s11 =	smul.u32 $0x9C0, s7;
	s14 =	sshll.u32 s7, $0x1  }
0xa: {  	s25 =	smul.u32 $0x4E200, s7;
	s17 =	sshll.u32 s7, $0x5;
	p0 =	sne.s32 s7, $0x0  }
0xb: {  	s10 =	smul.u32 $0x2710, s8;
	_ =	strace $0x80000047;
	s22 =	sshll.u32 s8, $0x10  }
0xc: {  	s12 =	ssub.s32 $0x2, s8;
	s23 =	sor.u32 s8, s14;
	s24 =	sadd.s32 $0x2700, s3  }
0xd: {  	s8 =	sshll.u32 s8, $0xC;
	s13 =	sshrl.u32 s12, $0x1;
	s11 =	sshrl.u32 s11, $0x2  }
0xe: {  	[dreg:$0x8] =	wrdreg s24;
	s26 =	sshll.u32 s23, $0x4;
	s15 =	sshll.u32 s23, $0xB  }
0xf: {  	s16 =	sshrl.u32 s25, $0x2;
	s24 =	sshll.u32 s7, $0xC;
	s9 =	sadd.s32 s10, s9  }
0x10: {  	s12 =	ssub.s32 s12, s13;
	s11 =	sadd.s32 s11, s3;
	s6 =	sadd.s32 s6, s15  }
0x11: {  	s9 =	sshrl.u32 s9, $0x3;
	[dreg:$0x7] =	wrdreg s11;
	s11 =	sshll.u32 s7, $0x8  }
0x12: {  	[dreg:$0xa] =	wrdreg s6;
	s6 =	sadd.s32 s5, s17;
	s18 =	smax.u32 s12, $0x1  }
0x13: {  	s7 =	simm.s32 $0x1E778;
	s10 =	sadd.s32 s9, s1;
	[dreg:$0xb] =	wrdreg s6  }
0x14: {  	s9 =	sadd.s32 s22, s1;
	s1 =	sadd.s32 $0x14800, s1;
	[dreg:$0xc] =	wrdreg s18  }
0x15: {  	s23 =	sor.u32 s8, s11;
	s25 =	sor.u32 $0x80, s11;
	s19 =	sadd.s32 $0x14C00, s9  }
0x16: {  	s9 =	sadd.s32 s5, s26;
	s6 =	sshrl.u32 s23, $0x3;
	s11 =	sshrl.u32 s25, $0x3  }
0x17: {  	s8 =	sor.u32 s8, s25;
	s23 =	simm.s32 $0x16478;
	[dreg:$0x9] =	wrdreg s9  }
0x18: {  	s9 =	sadd.s32 s16, s2;
	s16 =	sadd.s32 s24, s19;
	s17 =	sadd.s32 s1, s6  }
0x19: {  	s6 =	sshll.u32 s25, $0x4;
	s18 =	sadd.s32 s5, s11;
	s26 =	sshrl.u32 s8, $0x3  }
0x1a: {  	s24 =	simm.s32 $0x2;
	s25 =	simm.s32 $0x1A6F8;
	s5 =	simm.s32 $0x80  }
0x1b: {  	s8 =	simm.s32 $0x0;
	s20 =	sadd.s32 $0x3E80, s9;
	s21 =	sadd.s32 $0x7D00, s9  }
0x1c: {  	s22 =	sadd.s32 $0xBB80, s9;
	s15 =	sadd.s32 $0xFA00, s9;
	[dreg:$0xd] =	wrdreg s20  }
0x1d: {  	s19 =	sadd.s32 s6, s19;
	s6 =	simm.s32 $0x1A778;
	[dreg:$0xe] =	wrdreg s21  }
0x1e: {  	[dreg:$0xf] =	wrdreg s22;
	s20 =	sadd.s32 s1, s26;
	s21 =	sadd.s32 $0xC00, s10  }
0x1f: {  	v0 =	vimm.f32 $0.0e+00;
	v1 =	vimm.f32 $1.000000000e+00;
	s22 =	sadd.s32 $0xAA00, s10;
	s26 =	simm.s32 $0x13AF8;
	s1 =	simm.s32 $0x163F8  }
.LBB2_1:
0x20: {  	s10 =	sand.u32 $0xFE00, s4  }
0x21: {  	s11 =	sand.u32 $0x70, s4;
	s12 =	sshrl.u32 s10, $0x2  }
0x22: {  	s10 =	simm.s32 $0x40;
	s12 =	sor.u32 s11, s12;
	s11 =	simm.s32 $0x0  }
.LBB2_2:
0x23: {  	p1 =	sne.s32 s10, $0xF9C0  }
0x24: {  	[tilespmem:s12+$0x16478] =	vst v0;
	s11 =	sadd.s32 $0x10, s11;
	s12 =	smov.u32 s10;
	s10 =	sadd.s32 $0x40, s10  }
.Ltmp0:
0x25: {  	(pc) =	sbr.rel @p1 .LBB2_2-.Ltmp0, $4  }
0x26: {  	_ = 	snop  }
0x27: {  	s12 =	sand.u32 $0xFE00, s12  }
0x28: {  	s13 =	sand.u32 $0x70, s11;
	s12 =	sshrl.u32 s12, $0x2  }
0x29: {  	s12 =	sor.u32 s13, s12  }
0x2a: {  	[tilespmem:s12+$0x16478] =	vst v0  }
0x2b: {  	[tilespmem:$0x1A478] =	vst v0  }
0x2c: {  	[tilespmem:$0x1A488] =	vst v0  }
0x2d: {  	[tilespmem:$0x1A498] =	vst v0  }
0x2e: {  	[tilespmem:$0x1A4A8] =	vst v0  }
0x2f: {  	[tilespmem:$0x1A4B8] =	vst v0  }
0x30: {  	[tilespmem:$0x1A4C8] =	vst v0  }
0x31: {  	[tilespmem:$0x1A4D8] =	vst v0  }
0x32: {  	[tilespmem:$0x1A4E8] =	vst v0  }
0x33: {  	[tilespmem:$0x1A4F8] =	vst v0  }
0x34: {  	[tilespmem:$0x1A508] =	vst v0  }
0x35: {  	[tilespmem:$0x1A518] =	vst v0  }
0x36: {  	[tilespmem:$0x1A528] =	vst v0  }
0x37: {  	[tilespmem:$0x1A538] =	vst v0  }
0x38: {  	[tilespmem:$0x1A548] =	vst v0  }
0x39: {  	[tilespmem:$0x1A558] =	vst v0  }
0x3a: {  	[tilespmem:$0x1A568] =	vst v0  }
0x3b: {  	[tilespmem:$0x1A578] =	vst v0  }
0x3c: {  	[tilespmem:$0x1A588] =	vst v0  }
0x3d: {  	[tilespmem:$0x1A598] =	vst v0  }
0x3e: {  	[tilespmem:$0x1A5A8] =	vst v0  }
0x3f: {  	[tilespmem:$0x1A5B8] =	vst v0  }
0x40: {  	[tilespmem:$0x1A5C8] =	vst v0  }
0x41: {  	[tilespmem:$0x1A5D8] =	vst v0  }
0x42: {  	[tilespmem:$0x1A5E8] =	vst v0  }
0x43: {  	[tilespmem:$0x1A5F8] =	vst v0  }
0x44: {  	[tilespmem:$0x1A608] =	vst v0  }
0x45: {  	[tilespmem:$0x1A618] =	vst v0  }
0x46: {  	[tilespmem:$0x1A628] =	vst v0  }
0x47: {  	[tilespmem:$0x1A638] =	vst v0  }
0x48: {  	[tilespmem:$0x1A648] =	vst v0  }
0x49: {  	[tilespmem:$0x1A658] =	vst v0  }
0x4a: {  	[tilespmem:$0x1A668] =	vst v0  }
0x4b: {  	[tilespmem:$0x1A678] =	vst v0  }
0x4c: {  	[tilespmem:$0x1A688] =	vst v0  }
0x4d: {  	[tilespmem:$0x1A698] =	vst v0  }
0x4e: {  	[tilespmem:$0x1A6A8] =	vst v0  }
0x4f: {  	[tilespmem:$0x1A6B8] =	vst v0  }
0x50: {  	[tilespmem:$0x1A6C8] =	vst v0  }
0x51: {  	[tilespmem:$0x1A6D8] =	vst v0  }
0x52: {  	[tilespmem:$0x163F8] =	vst v1  }
0x53: {  	[tilespmem:$0x16408] =	vst v1  }
0x54: {  	[tilespmem:$0x16418] =	vst v1  }
0x55: {  	[tilespmem:$0x16428] =	vst v1  }
0x56: {  	[tilespmem:$0x16438] =	vst v1  }
0x57: {  	[spmem:s9] =	stream.linear.scatter [tilespmem:s23], [sflag:$0x2], $0x3E80, $0x38;
	[tilespmem:$0x1E7F8] =	vst v63  }
0x58: {  	_ =	swait.ge [sflag:s24], $0x3E80  }
0x59: {  	[sflag:s24] =	ssyncset.done $0x0  }
0x5a: {  	s10 =	rddreg [dreg:$0xd];
	[sflag:s24] =	ssyncadd.s32 $0xFFFFC180  }
0x5b: {  	[spmem:s10] =	stream.linear.scatter [tilespmem:s23], [sflag:$0x2], $0x3E80, $0x38;
	[tilespmem:$0x1E7F8] =	vst v63  }
0x5c: {  	_ =	swait.ge [sflag:s24], $0x3E80  }
0x5d: {  	[sflag:s24] =	ssyncset.done $0x0  }
0x5e: {  	s14 =	rddreg [dreg:$0xe];
	[sflag:s24] =	ssyncadd.s32 $0xFFFFC180  }
0x5f: {  	[spmem:s14] =	stream.linear.scatter [tilespmem:s23], [sflag:$0x2], $0x3E80, $0x38;
	[tilespmem:$0x1E7F8] =	vst v63  }
0x60: {  	_ =	swait.ge [sflag:s24], $0x3E80  }
0x61: {  	[sflag:s24] =	ssyncset.done $0x0  }
0x62: {  	s11 =	rddreg [dreg:$0xf];
	[sflag:s24] =	ssyncadd.s32 $0xFFFFC180  }
0x63: {  	[spmem:s11] =	stream.linear.scatter [tilespmem:s23], [sflag:$0x2], $0x3E80, $0x38;
	[tilespmem:$0x1E7F8] =	vst v63  }
0x64: {  	_ =	swait.ge [sflag:s24], $0x3E80  }
0x65: {  	[sflag:s24] =	ssyncset.done $0x0  }
0x66: {  	[sflag:s24] =	ssyncadd.s32 $0xFFFFC180  }
0x67: {  	[spmem:s15] =	stream.linear.scatter [tilespmem:s23], [sflag:$0x2], $0x3E80, $0x38;
	[tilespmem:$0x1E7F8] =	vst v63  }
0x68: {  	_ =	swait.ge [sflag:s24], $0x3E80  }
0x69: {  	[sflag:s24] =	ssyncset.done $0x0  }
0x6a: {  	s11 =	simm.s32 $0x1A478;
	s12 =	rddreg [dreg:$0x7];
	[sflag:s24] =	ssyncadd.s32 $0xFFFFC180  }
0x6b: {  	[spmem:s12] =	stream.linear.scatter [tilespmem:s11], [sflag:$0x2], $0x270, $0x38;
	[tilespmem:$0x1E7F8] =	vst v63  }
0x6c: {  	_ =	swait.ge [sflag:s24], $0x270  }
0x6d: {  	[sflag:s24] =	ssyncset.done $0x0  }
0x6e: {  	s10 =	simm.s32 @!p0 $0x1A478;
	s11 =	rddreg [dreg:$0x8];
	[sflag:s24] =	ssyncadd.s32 $0xFFFFFD90  }
0x6f: {  	[spmem:s11] =	stream.linear.scatter @!p0 [tilespmem:s10], [sflag:$0x2], $0x10, $0x38;
	[tilespmem:$0x1E7F8] =	vst v63  }
0x70: {  	s10 =	simm.s32 @!p0 $0x2  }
0x71: {  	_ =	swait.ge @!p0 [sflag:s10], $0x10  }
0x72: {  	[sflag:s10] =	ssyncset.done @!p0 $0x0  }
0x73: {  	[sflag:s10] =	ssyncadd.s32 @!p0 $0xFFFFFFF0  }
0x74: {  	s13 =	sadd.s32 $0x0, s22;
	[bflag:$0x0] =	sbarrier.arrive $0xFFFF  }
0x75: {  	[tilespmem:s26], [sflag:$0x2] =	stream.linear.gather [hbm4b:s13+s4], $0x50, $0x38;
	[tilespmem:$0x1E7F8] =	vst v63  }
0x76: {  	_ =	swait.ge [sflag:s24], $0x50  }
0x77: {  	[sflag:s24] =	ssyncset.done $0x0  }
0x78: {  	s14 =	sadd.s32 $0x0, s21;
	[sflag:s24] =	ssyncadd.s32 $0xFFFFFFB0  }
0x79: {  	[tilespmem:s28], [sflag:$0x2] =	stream.linear.gather [hbm4b:s14+s4], $0x50, $0x38;
	[tilespmem:$0x1E7F8] =	vst v63  }
0x7a: {  	_ =	swait.ge [sflag:s24], $0x50  }
0x7b: {  	[sflag:s24] =	ssyncset.done $0x0  }
0x7c: {  	[sflag:s24] =	ssyncadd.s32 $0xFFFFFFB0  }
0x7d: {  	[tilespmem:s30], [sflag:$0x1] =	stream.indirect.gather [hbm4b:s0+s29], $0x80, s28, s29, $0xb8;
	[tilespmem:$0x1E7F8] =	vst v63  }
0x7e: {  	_ =	swait.ge [sflag:s31], $0x2800  }
0x7f: {  	[sflag:s31] =	ssyncset.done $0x0  }
0x80: {  	[sflag:s31] =	ssyncadd.s32 $0xFFFFD800  }
0x81: {  	[spmem:s2] =	stream.indirect.scatter.add.f32 [tilespmem:s30], [sflag:$0x2], $0x80, s26, s29, $0xb8;
	[tilespmem:$0x1E7F8] =	vst v63  }
0x82: {  	_ =	swait.ge [sflag:s24], $0x2800  }
0x83: {  	[sflag:s24] =	ssyncset.done $0x0  }
0x84: {  	[sflag:s24] =	ssyncadd.s32 $0xFFFFD800  }
0x85: {  	[spmem:s3] =	stream.indirect.scatter.add.f32 [tilespmem:s1], [sflag:$0x2], $0x1, s26, s29, $0xb8;
	[tilespmem:$0x1E7F8] =	vst v63  }
0x86: {  	_ =	swait.ge [sflag:s24], $0x50  }
0x87: {  	s11 =	simm.s32 $0x14;
	s10 =	simm.s32 $0xA;
	[sflag:s24] =	ssyncset.done $0x0  }
.LBB2_4:
0x88: {  	s12 =	sadd.s32 s10, s22  }
0x89: {  	[sflag:s24] =	ssyncadd.s32 $0xFFFFFFB0;
	s13 =	smov.u32 s11;
	s14 =	sadd.s32 $0xA, s11  }
0x8a: {  	[tilespmem:s26], [sflag:$0x2] =	stream.linear.gather [hbm4b:s12+s4], $0x50, $0x38;
	[tilespmem:$0x1E7F8] =	vst v63  }
0x8b: {  	p1 =	sne.s32 s11, $0x4D8;
	_ =	swait.ge [sflag:s24], $0x50  }
0x8c: {  	[sflag:s24] =	ssyncset.done $0x0  }
0x8d: {  	s11 =	sadd.s32 s10, s21;
	s10 =	smov.u32 s13;
	[sflag:s24] =	ssyncadd.s32 $0xFFFFFFB0  }
0x8e: {  	[tilespmem:s28], [sflag:$0x2] =	stream.linear.gather [hbm4b:s11+s4], $0x50, $0x38;
	[tilespmem:$0x1E7F8] =	vst v63  }
0x8f: {  	_ =	swait.ge [sflag:s24], $0x50  }
0x90: {  	[sflag:s24] =	ssyncset.done $0x0  }
0x91: {  	[sflag:s24] =	ssyncadd.s32 $0xFFFFFFB0  }
0x92: {  	[tilespmem:s30], [sflag:$0x1] =	stream.indirect.gather [hbm4b:s0+s29], $0x80, s28, s29, $0xb8;
	[tilespmem:$0x1E7F8] =	vst v63  }
0x93: {  	_ =	swait.ge [sflag:s31], $0x2800  }
0x94: {  	[sflag:s31] =	ssyncset.done $0x0  }
0x95: {  	[sflag:s31] =	ssyncadd.s32 $0xFFFFD800  }
0x96: {  	[spmem:s2] =	stream.indirect.scatter.add.f32 [tilespmem:s30], [sflag:$0x2], $0x80, s26, s29, $0xb8;
	[tilespmem:$0x1E7F8] =	vst v63  }
0x97: {  	_ =	swait.ge [sflag:s24], $0x2800  }
.Ltmp1:
0x98: {  	[sflag:s24] =	ssyncset.done $0x0;
	(pc) =	sbr.rel @p1 .LBB2_4-.Ltmp1, $4  }
0x99: {  	[sflag:s24] =	ssyncadd.s32 $0xFFFFD800  }
0x9a: {  	[spmem:s3] =	stream.indirect.scatter.add.f32 [tilespmem:s1], [sflag:$0x2], $0x1, s26, s29, $0xb8;
	[tilespmem:$0x1E7F8] =	vst v63  }
0x9b: {  	_ =	swait.ge [sflag:s24], $0x50  }
0x9c: {  	s11 =	smov.u32 s14;
	[sflag:s24] =	ssyncset.done $0x0  }
0x9d: {  	s11 =	sadd.s32 s10, s22;
	[sflag:s24] =	ssyncadd.s32 $0xFFFFFFB0  }
0x9e: {  	[tilespmem:s26], [sflag:$0x2] =	stream.linear.gather [hbm4b:s11+s4], $0x50, $0x38;
	[tilespmem:$0x1E7F8] =	vst v63  }
0x9f: {  	_ =	swait.ge [sflag:s24], $0x50  }
0xa0: {  	[sflag:s24] =	ssyncset.done $0x0  }
0xa1: {  	s14 =	sadd.s32 s10, s21;
	[sflag:s24] =	ssyncadd.s32 $0xFFFFFFB0  }
0xa2: {  	[tilespmem:s28], [sflag:$0x2] =	stream.linear.gather [hbm4b:s14+s4], $0x50, $0x38;
	[tilespmem:$0x1E7F8] =	vst v63  }
0xa3: {  	_ =	swait.ge [sflag:s24], $0x50  }
0xa4: {  	[sflag:s24] =	ssyncset.done $0x0  }
0xa5: {  	[sflag:s24] =	ssyncadd.s32 $0xFFFFFFB0  }
0xa6: {  	[tilespmem:s30], [sflag:$0x1] =	stream.indirect.gather [hbm4b:s0+s29], $0x80, s28, s29, $0xb8;
	[tilespmem:$0x1E7F8] =	vst v63  }
0xa7: {  	_ =	swait.ge [sflag:s31], $0x2800  }
0xa8: {  	[sflag:s31] =	ssyncset.done $0x0  }
0xa9: {  	[sflag:s31] =	ssyncadd.s32 $0xFFFFD800  }
0xaa: {  	[spmem:s2] =	stream.indirect.scatter.add.f32 [tilespmem:s30], [sflag:$0x2], $0x80, s26, s29, $0xb8;
	[tilespmem:$0x1E7F8] =	vst v63  }
0xab: {  	_ =	swait.ge [sflag:s24], $0x2800  }
0xac: {  	[sflag:s24] =	ssyncset.done $0x0  }
0xad: {  	[sflag:s24] =	ssyncadd.s32 $0xFFFFD800  }
0xae: {  	[spmem:s3] =	stream.indirect.scatter.add.f32 [tilespmem:s1], [sflag:$0x2], $0x1, s26, s29, $0xb8;
	[tilespmem:$0x1E7F8] =	vst v63  }
0xaf: {  	_ =	swait.ge [sflag:s24], $0x50  }
0xb0: {  	[sflag:s24] =	ssyncset.done $0x0  }
0xb1: {  	[sflag:s24] =	ssyncadd.s32 $0xFFFFFFB0  }
0xb2: {  	[bflag:$0x0] =	sbarrier.arrive $0xFFFF  }
0xb3: {  	s11 =	rddreg [dreg:$0xb]  }
0xb4: {  	[tilespmem:s25], [sflag:$0x2] =	stream.linear.gather [hbm4b:s11+s4], $0x80, $0x38;
	[tilespmem:$0x1E7F8] =	vst v63  }
0xb5: {  	_ =	swait.ge [sflag:s24], $0x80  }
0xb6: {  	[sflag:s24] =	ssyncset.done $0x0  }
0xb7: {  	[sflag:s24] =	ssyncadd.s32 $0xFFFFFF80  }
0xb8: {  	[tilespmem:s6], [sflag:$0x1] =	stream.indirect.gather [spmem:s2], $0x80, s25, s5, $0xb8;
	[tilespmem:$0x1E7F8] =	vst v63  }
0xb9: {  	_ =	swait.ge [sflag:s31], $0x4000  }
0xba: {  	[sflag:s31] =	ssyncset.done $0x0  }
0xbb: {  	[sflag:s31] =	ssyncadd.s32 $0xFFFFC000  }
0xbc: {  	[hbm4b:s16+s4] =	stream.linear.scatter [tilespmem:s6], [sflag:$0x2], $0x4000, $0x38;
	[tilespmem:$0x1E7F8] =	vst v63  }
0xbd: {  	_ =	swait.ge [sflag:s24], $0x4000  }
0xbe: {  	[sflag:s24] =	ssyncset.done $0x0  }
0xbf: {  	[sflag:s24] =	ssyncadd.s32 $0xFFFFC000  }
0xc0: {  	[tilespmem:s7], [sflag:$0x1] =	stream.indirect.gather [spmem:s3], $0x1, s25, s5, $0xb8;
	[tilespmem:$0x1E7F8] =	vst v63  }
0xc1: {  	_ =	swait.ge [sflag:s31], $0x80  }
0xc2: {  	[sflag:s31] =	ssyncset.done $0x0  }
0xc3: {  	[sflag:s31] =	ssyncadd.s32 $0xFFFFFF80  }
0xc4: {  	[hbm4b:s17+s4] =	stream.linear.scatter [tilespmem:s7], [sflag:$0x2], $0x80, $0x38;
	[tilespmem:$0x1E7F8] =	vst v63  }
0xc5: {  	_ =	swait.ge [sflag:s24], $0x80  }
0xc6: {  	[sflag:s24] =	ssyncset.done $0x0  }
0xc7: {  	[sflag:s24] =	ssyncadd.s32 $0xFFFFFF80  }
0xc8: {  	[tilespmem:s25], [sflag:$0x2] =	stream.linear.gather [hbm4b:s18+s4], $0x80, $0x38;
	[tilespmem:$0x1E7F8] =	vst v63  }
0xc9: {  	_ =	swait.ge [sflag:s24], $0x80  }
0xca: {  	[sflag:s24] =	ssyncset.done $0x0  }
0xcb: {  	[sflag:s24] =	ssyncadd.s32 $0xFFFFFF80  }
0xcc: {  	[tilespmem:s6], [sflag:$0x1] =	stream.indirect.gather [spmem:s2], $0x80, s25, s5, $0xb8;
	[tilespmem:$0x1E7F8] =	vst v63  }
0xcd: {  	_ =	swait.ge [sflag:s31], $0x4000  }
0xce: {  	[sflag:s31] =	ssyncset.done $0x0  }
0xcf: {  	[sflag:s31] =	ssyncadd.s32 $0xFFFFC000  }
0xd0: {  	[hbm4b:s19+s4] =	stream.linear.scatter [tilespmem:s6], [sflag:$0x2], $0x4000, $0x38;
	[tilespmem:$0x1E7F8] =	vst v63  }
0xd1: {  	_ =	swait.ge [sflag:s24], $0x4000  }
0xd2: {  	[sflag:s24] =	ssyncset.done $0x0  }
0xd3: {  	[sflag:s24] =	ssyncadd.s32 $0xFFFFC000  }
0xd4: {  	[tilespmem:s7], [sflag:$0x1] =	stream.indirect.gather [spmem:s3], $0x1, s25, s5, $0xb8;
	[tilespmem:$0x1E7F8] =	vst v63  }
0xd5: {  	_ =	swait.ge [sflag:s31], $0x80  }
0xd6: {  	[sflag:s31] =	ssyncset.done $0x0  }
0xd7: {  	[sflag:s31] =	ssyncadd.s32 $0xFFFFFF80  }
0xd8: {  	[hbm4b:s20+s4] =	stream.linear.scatter [tilespmem:s7], [sflag:$0x2], $0x80, $0x38;
	[tilespmem:$0x1E7F8] =	vst v63  }
0xd9: {  	_ =	swait.ge [sflag:s24], $0x80  }
0xda: {  	[sflag:s24] =	ssyncset.done $0x0  }
0xdb: {  	s12 =	rddreg [dreg:$0x9];
	[sflag:s24] =	ssyncadd.s32 $0xFFFFFF80  }
0xdc: {  	[tilespmem:s25], [sflag:$0x2] =	stream.linear.gather [hbm4b:s12+s4], $0x80, $0x38;
	[tilespmem:$0x1E7F8] =	vst v63  }
0xdd: {  	_ =	swait.ge [sflag:s24], $0x80  }
0xde: {  	[sflag:s24] =	ssyncset.done $0x0  }
0xdf: {  	[sflag:s24] =	ssyncadd.s32 $0xFFFFFF80  }
0xe0: {  	[tilespmem:s6], [sflag:$0x1] =	stream.indirect.gather [hbm4b:s0+s5], $0x80, s25, s5, $0xb8;
	[tilespmem:$0x1E7F8] =	vst v63  }
0xe1: {  	_ =	swait.ge [sflag:s31], $0x4000  }
0xe2: {  	[sflag:s31] =	ssyncset.done $0x0  }
0xe3: {  	s13 =	rddreg [dreg:$0xa];
	[sflag:s31] =	ssyncadd.s32 $0xFFFFC000  }
0xe4: {  	[hbm4b:s13+s4] =	stream.linear.scatter [tilespmem:s6], [sflag:$0x2], $0x4000, $0x38;
	[tilespmem:$0x1E7F8] =	vst v63  }
0xe5: {  	_ =	swait.ge [sflag:s24], $0x4000  }
0xe6: {  	s8 =	sadd.s32 $0x1, s8;
	s14 =	rddreg [dreg:$0xc]  }
0xe7: {  	p1 =	sne.s32 s8, s14  }
.Ltmp2:
0xe8: {  	_ = 	snop;
	(pc) =	sbr.rel @p1 .LBB2_1-.Ltmp2, $3  }
0xe9: {  	_ =	sdelay $0x1  }
0xea: {  	[sflag:s24] =	ssyncset.done $0x0  }
0xeb: {  	[sflag:s24] =	ssyncadd.s32 $0xFFFFC000  }
0xec: {  	_ =	sfence.sel $0x180000  }
0xed: {  	[bflag:$0x0] =	sbarrier.arrive $0xFFFF  }
0xee: {  	_ =	strace $0x90000047  }
0xef: {  	[bflag:$0x2] =	sbarrier.arrive $0xFFFF  }
0xf0: {  	s0 =	rddreg [dreg:$0x6]  }
0xf1: {  	s0 =	sadd.s32 @!p0 $0x100000, s0  }
0xf2: {  	[sflag:s0] =	ssyncadd.tile.s32 @!p0 $0x1;
	_ =	shalt  }
.Lfunc_end2:
_tile_overlayer_lowered:
.L_overlay_start_2:
0xf3: {  	(tag) =	ssettag $0x2  }
0xf4: {  	s0 =	rddreg [dreg:$0x0];
	s2 =	stileid.u32  }
0xf5: {  	s1 =	rddreg [dreg:$0x1];
	p0 =	sne.s32 s2, $0x0  }
0xf6: {  	s3 =	rddreg [dreg:$0x2];
	[bflag:$0x3] =	sbarrier.arrive $0xFFFF;
	s2 =	simm.s32 @!p0 $0x1C02  }
0xf7: {  	[timem:s3], [sflag:s2] =	dma.local @!p0 [hbm:s0], s1  }
0xf8: {  	s0 =	simm.s32 @!p0 $0x2  }
0xf9: {  	_ =	swait.ge @!p0 [sflag:s0], s1  }
0xfa: {  	s1 =	ssub.s32 @!p0 $0x0, s1;
	[sflag:s0] =	ssyncset.done @!p0 $0x0  }
0xfb: {  	[sflag:s0] =	ssyncadd.s32 @!p0 s1  }
0xfc: {  	[bflag:$0x3] =	sbarrier.arrive $0xFFFF  }
0xfd: {  	_ =	shalt  }

</sc_bundles>
